<compile_context>
chip_gen: v7x
topology: tpu7x:2x2x1
jax: 0.10.2.dev20260603
libtpu: 0.0.44.dev20260713+nightly
codegen_flags: <defaults>
</compile_context>

<pallas_src>
import functools

import jax
import jax.numpy as jnp
from jax import lax
from jax.experimental import pallas as pl
from jax.experimental.pallas import tpu as pltpu
from jax.experimental.pallas import tpu_sc as plsc

N_NODES = 10000
N_PAD = 10240
EMB = 128
N_EDGES = 320000
NC = 2
NS = 16
N_TILES = NC * NS
EDGES_PER_TILE = N_EDGES // N_TILES
CHUNK = 128
N_CHUNKS = -(-EDGES_PER_TILE // CHUNK) + 1
EDGES_PER_TILE_PAD = N_CHUNKS * CHUNK


def _spmm_sc(x, src_t, dst_t, w_t):
  mesh = plsc.VectorSubcoreMesh(core_axis_name="c", subcore_axis_name="s")

  @functools.partial(
      pl.kernel,
      mesh=mesh,
      out_type=jax.ShapeDtypeStruct((NC, N_PAD, EMB), jnp.float32),
      scratch_types=[
          pltpu.VMEM((N_CHUNKS, CHUNK), jnp.int32),
          pltpu.VMEM((N_CHUNKS, CHUNK), jnp.int32),
          pltpu.VMEM((N_CHUNKS, CHUNK), jnp.float32),
          pltpu.VMEM((CHUNK, EMB), jnp.float32),
          pltpu.VMEM_SHARED((N_PAD, EMB), jnp.float32),
          pltpu.SemaphoreType.DMA,
      ],
  )
  def spmm(x_hbm, src_hbm, dst_hbm, w_hbm, out_hbm,
           src_v, dst_v, w_v, rows_v, acc_sh, sem):
    c = lax.axis_index("c")
    s = lax.axis_index("s")

    z16 = jnp.zeros((16,), jnp.float32)

    def zfill(i, _):
      r = i // (EMB // 16)
      j = i % (EMB // 16)
      rows_v[r, pl.ds(j * 16, 16)] = z16
      return 0

    lax.fori_loop(0, CHUNK * (EMB // 16), zfill, 0)
    rows_per_tile = N_PAD // NS
    base = s * rows_per_tile
    for q in range(rows_per_tile // CHUNK):
      pltpu.sync_copy(rows_v, acc_sh.at[pl.ds(base + q * CHUNK, CHUNK)])

    pltpu.sync_copy(src_hbm.at[c, s], src_v)
    pltpu.sync_copy(dst_hbm.at[c, s], dst_v)
    pltpu.sync_copy(w_hbm.at[c, s], w_v)
    plsc.subcore_barrier()

    def chunk_body(k, _):
      pltpu.async_copy(x_hbm.at[src_v.at[k]], rows_v, sem).wait()

      def group_body(g, _):
        wg = w_v[k, pl.ds(g * 16, 16)]
        wes = [wg[e] for e in range(16)]

        def col_body(j, _):
          sl = pl.ds(j * 16, 16)
          for e in range(16):
            row = g * 16 + e
            rows_v[row, sl] = rows_v[row, sl] * wes[e]
          return 0

        lax.fori_loop(0, EMB // 16, col_body, 0)
        return 0

      lax.fori_loop(0, CHUNK // 16, group_body, 0)

      pltpu.sync_copy(rows_v, acc_sh.at[dst_v.at[k]], add=True)
      return 0

    lax.fori_loop(0, N_CHUNKS, chunk_body, 0)
    plsc.subcore_barrier()

    sl = pl.ds(s * rows_per_tile, rows_per_tile)
    pltpu.sync_copy(acc_sh.at[sl], out_hbm.at[c, sl])

  return spmm(x, src_t, dst_t, w_t)


_ROWS_BLK = 1024


def _combine(p):

  def body(p_ref, o_ref):
    o_ref[...] = p_ref[0] + p_ref[1]

  return pl.pallas_call(
      body,
      grid=(N_PAD // _ROWS_BLK,),
      in_specs=[pl.BlockSpec((2, _ROWS_BLK, EMB), lambda i: (0, i, 0))],
      out_specs=pl.BlockSpec((_ROWS_BLK, EMB), lambda i: (i, 0)),
      out_shape=jax.ShapeDtypeStruct((N_PAD, EMB), jnp.float32),
  )(p)


def _finalize(bvec, x0, x1, p2):

  def body(b_ref, x0_ref, x1_ref, p2_ref, o_ref):
    x2 = p2_ref[0] + p2_ref[1]

    def n(v):
      ss = jnp.sum(v * v, axis=-1, keepdims=True)
      nrm = jnp.sqrt(ss)
      return v / jnp.maximum(nrm, 1e-12)

    acc = (b_ref[0] * n(x0_ref[...]) + b_ref[1] * n(x1_ref[...])
           + b_ref[2] * n(x2))
    o_ref[...] = 2.0 * acc

  blk = lambda: pl.BlockSpec((_ROWS_BLK, EMB), lambda i: (i, 0))
  return pl.pallas_call(
      body,
      grid=(N_PAD // _ROWS_BLK,),
      in_specs=[
          pl.BlockSpec(memory_space=pltpu.SMEM),
          blk(),
          blk(),
          pl.BlockSpec((2, _ROWS_BLK, EMB), lambda i: (0, i, 0)),
      ],
      out_specs=blk(),
      out_shape=jax.ShapeDtypeStruct((N_PAD, EMB), jnp.float32),
  )(bvec, x0, x1, p2)


def kernel(nodes_emb, edge_weight, b, edge_index):
  def tile_pad(a, fill):
    a = a.reshape(N_TILES, EDGES_PER_TILE)
    a = jnp.pad(a, ((0, 0), (0, EDGES_PER_TILE_PAD - EDGES_PER_TILE)),
                constant_values=fill)
    return a.reshape(NC, NS, N_CHUNKS, CHUNK)

  src_t = tile_pad(edge_index[0], 0)
  dst_t = tile_pad(edge_index[1], 0)
  w_t = tile_pad(edge_weight, 0.0)
  bvec = b.reshape(3)

  x0 = jnp.pad(nodes_emb, ((0, N_PAD - N_NODES), (0, 0)))
  p1 = _spmm_sc(x0, src_t, dst_t, w_t)
  x1 = _combine(p1)
  p2 = _spmm_sc(x1, src_t, dst_t, w_t)
  core = _finalize(bvec, x0, x1, p2)
  zeros = jnp.zeros((1, EMB), jnp.float32)
  return jnp.concatenate([zeros, core[:N_NODES]], axis=0)

# --- scband reference (transcript-rebuilt; emitter-appended) ---
"""Pipeline reference for scband-gnn-cl-35192962024016 (READ-ONLY COPY).

The authoritative reference and input builder live on the scoring server;
editing this copy changes nothing except your own understanding.
"""

import jax, jax.numpy as jnp
import numpy as np

N_NODE = 10000
EMB = 128
N_EDGES = 320000
LAYERS = 2

def setup_inputs(seed: int = 0) -> dict:
    key = jax.random.key(seed)
    k1, k2, k3 = jax.random.split(key, 3)
    nodes_emb = jax.random.normal(k1, (N_NODE, EMB), dtype=jnp.float32) * 0.1
    edge_index = jax.random.randint(k2, (2, N_EDGES), 0, N_NODE, dtype=jnp.int32)
    edge_weight = jax.random.uniform(k3, (N_EDGES,), dtype=jnp.float32)
    b = jnp.ones((LAYERS + 1, 1, 1), dtype=jnp.float32)
    return {"nodes_emb": nodes_emb, "edge_weight": edge_weight, "b": b, "edge_index": edge_index}


def reference(nodes_emb, edge_weight, b, edge_index):
    # ItemConv: sparse adjacency (COO edges src->dst with weights) spmm over layers
    src = edge_index[0]
    dst = edge_index[1]
    x = nodes_emb
    final = [x]
    for _ in range(LAYERS):
        msgs = x[src] * edge_weight[:, None]          # gather + scale
        x = jax.ops.segment_sum(msgs, dst, num_segments=N_NODE)  # scatter-add (sparse mm)
        final.append(x)
    stacked = jnp.stack(final, axis=0)                # [L+1, N, d]
    norm = jnp.linalg.norm(stacked, ord=2, axis=-1, keepdims=True)
    normed = stacked / jnp.maximum(norm, 1e-12)       # F.normalize(p=2, dim=-1)
    item_embeddings_gnn = jnp.sum(b * normed, axis=0)
    # GnnCl.forward head (eval mode: dropout = identity)
    zeros = jnp.zeros((1, EMB), dtype=item_embeddings_gnn.dtype)
    emb1 = jnp.concatenate([zeros, item_embeddings_gnn], axis=0)
    emb2 = jnp.concatenate([zeros, item_embeddings_gnn], axis=0)
    embeddings = emb1 + emb2
    return embeddings

if __name__ == "__main__":
    import jax
    _d = setup_inputs()
    print(jax.jit(kernel)(*tuple(_d.values())))

</pallas_src>

<mosaic_0001>
#map = affine_map<(d0, d1) -> (0, 0)>
#map1 = affine_map<(d0, d1) -> (0, 0, 0, 0)>
#map2 = affine_map<(d0, d1) -> (0, 0, 0)>
module attributes {stable_mosaic.version = 14 : i64} {
  func.func @spmm(%arg0: i32, %arg1: i32, %arg2: memref<10240x128xf32, #tpu.memory_space<hbm>>, %arg3: memref<2x16x80x128xi32, #tpu.memory_space<hbm>>, %arg4: memref<2x16x80x128xi32, #tpu.memory_space<hbm>>, %arg5: memref<2x16x80x128xf32, #tpu.memory_space<hbm>>, %arg6: memref<2x10240x128xf32, #tpu.memory_space<hbm>>, %arg7: memref<80x128xi32, #tpu.memory_space<vmem>>, %arg8: memref<80x128xi32, #tpu.memory_space<vmem>>, %arg9: memref<80x128xf32, #tpu.memory_space<vmem>>, %arg10: memref<128x128xf32, #tpu.memory_space<vmem>>, %arg11: memref<10240x128xf32, #tpu.memory_space<vmem_shared>>, %arg12: memref<!tpu.dma_semaphore, #tpu.memory_space<semaphore_mem>>) attributes {dimension_semantics = [#tpu.dimension_semantics<core_parallel>, #tpu.dimension_semantics<subcore_parallel>], iteration_bounds = array<i64: 2, 16>, scalar_prefetch = 0 : i64, scratch_operands = 6 : i64, tpu.core_type = #tpu.core_type<sc_vector_subcore>, window_params = [{transform_indices = #map}, {transform_indices = #map1}, {transform_indices = #map1}, {transform_indices = #map1}, {transform_indices = #map2}]} {
    %broadcast_in_dim3A = arith.constant 0.000000e+00 : f32
    %broadcast_in_dim3A_0 = vector.broadcast %broadcast_in_dim3A : f32 to vector<16xf32>
    %scan3A = arith.constant 0 : i32
    %scan3A_1 = arith.constant 0 : i32
    %scan3A_2 = arith.constant 1024 : i32
    %scan3A_3 = arith.addi %scan3A_1, %scan3A_2 : i32
    %scan3A_4 = arith.constant 1 : i32
    %scan3A_5 = scf.for %scan3A_27 = %scan3A_1 to %scan3A_3 step %scan3A_4 iter_args(%scan3A_28 = %scan3A) -> (i32)  : i32 {
      %jit3A = arith.constant 8 : i32
      %div3A = arith.divsi %scan3A_27, %jit3A : i32
      %sign3A = arith.constant 0 : i32
      %sign3A_29 = arith.cmpi sgt, %scan3A_27, %sign3A : i32
      %sign3A_30 = arith.extui %sign3A_29 : i1 to i32
      %sign3A_31 = arith.constant 0 : i32
      %sign3A_32 = arith.cmpi slt, %scan3A_27, %sign3A_31 : i32
      %sign3A_33 = arith.extui %sign3A_32 : i1 to i32
      %sign3A_34 = arith.subi %sign3A_30, %sign3A_33 : i32
      %sign3A_35 = arith.constant 0 : i32
      %sign3A_36 = arith.cmpi sgt, %jit3A, %sign3A_35 : i32
      %sign3A_37 = arith.extui %sign3A_36 : i1 to i32
      %sign3A_38 = arith.constant 0 : i32
      %sign3A_39 = arith.cmpi slt, %jit3A, %sign3A_38 : i32
      %sign3A_40 = arith.extui %sign3A_39 : i1 to i32
      %sign3A_41 = arith.subi %sign3A_37, %sign3A_40 : i32
      %ne3A = arith.cmpi ne, %sign3A_34, %sign3A_41 : i32
      %rem3A = arith.remsi %scan3A_27, %jit3A : i32
      %ne3A_42 = arith.constant 0 : i32
      %ne3A_43 = arith.cmpi ne, %rem3A, %ne3A_42 : i32
      %and3A = arith.andi %ne3A, %ne3A_43 : i1
      %sub3A = arith.constant 1 : i32
      %sub3A_44 = arith.subi %div3A, %sub3A : i32
      %select_n3A = arith.select %and3A, %sub3A_44, %div3A : i32
      %jit3A_45 = arith.constant 8 : i32
      %eq3A = arith.constant 0 : i32
      %eq3A_46 = arith.cmpi eq, %jit3A_45, %eq3A : i32
      %jit3A_47 = arith.constant 1 : i32
      %select_n3A_48 = arith.select %eq3A_46, %jit3A_47, %jit3A_45 : i32
      %rem3A_49 = arith.remsi %scan3A_27, %select_n3A_48 : i32
      %ne3A_50 = arith.constant 0 : i32
      %ne3A_51 = arith.cmpi ne, %rem3A_49, %ne3A_50 : i32
      %lt3A = arith.constant 0 : i32
      %lt3A_52 = arith.cmpi slt, %rem3A_49, %lt3A : i32
      %lt3A_53 = arith.constant 0 : i32
      %lt3A_54 = arith.cmpi slt, %select_n3A_48, %lt3A_53 : i32
      %ne3A_55 = arith.xori %lt3A_52, %lt3A_54 : i1
      %and3A_56 = arith.andi %ne3A_55, %ne3A_51 : i1
      %add3A_57 = arith.addi %rem3A_49, %select_n3A_48 : i32
      %select_n3A_58 = arith.select %and3A_56, %add3A_57, %rem3A_49 : i32
      %mul3A_59 = arith.constant 16 : i32
      %mul3A_60 = arith.muli %select_n3A_58, %mul3A_59 : i32
      %swap3A = arith.index_cast %select_n3A : i32 to index
      %swap3A_61 = arith.index_cast %mul3A_60 : i32 to index
      %swap3A_62 = tpu.vector_load %arg10[%swap3A, %swap3A_61] {strides = array<i32>} : memref<128x128xf32, #tpu.memory_space<vmem>>, vector<1x16xf32>,
      %swap3A_63 = vector.shape_cast %swap3A_62 : vector<1x16xf32> to vector<16xf32>
      %swap3A_64 = vector.shape_cast %broadcast_in_dim3A_0 : vector<16xf32> to vector<1x16xf32>
      tpu.vector_store %arg10[%swap3A, %swap3A_61], %swap3A_64 {strides = array<i32>} : memref<128x128xf32, #tpu.memory_space<vmem>>, vector<1x16xf32>,
      %scan3A_65 = arith.constant 0 : i32
      scf.yield %scan3A_65 : i32
    }
    %scan3A_6 = arith.constant 1024 : i32
    %mul3A = arith.constant 640 : i32
    %mul3A_7 = arith.muli %arg1, %mul3A : i32
    %add3A = arith.constant 0 : i32
    %add3A_8 = arith.addi %mul3A_7, %add3A : i32
    "tpu.region"() ({
      %run_scoped3A = tpu.sem_alloc : memref<!tpu.dma_semaphore, #tpu.memory_space<semaphore_mem>>
      %dma_start3A = arith.constant 0 : i32
      %dma_start3A_27 = tpu.memref_slice %arg11[%add3A_8, %dma_start3A] : memref<10240x128xf32, #tpu.memory_space<vmem_shared>> -> memref<128x128xf32, #tpu.memory_space<vmem_shared>>
      %dma_start3A_28 = arith.constant 0 : i32
      %dma_start3A_29 = tpu.memref_slice %arg11[%add3A_8, %dma_start3A_28] : memref<10240x128xf32, #tpu.memory_space<vmem_shared>> -> memref<128x128xf32, #tpu.memory_space<vmem_shared>>
      tpu.enqueue_dma source(%arg10 : memref<128x128xf32, #tpu.memory_space<vmem>>) target(%dma_start3A_29 : memref<128x128xf32, #tpu.memory_space<vmem_shared>>) target_semaphore(%run_scoped3A : memref<!tpu.dma_semaphore, #tpu.memory_space<semaphore_mem>>)
      %dma_wait3A = arith.constant 0 : i32
      %dma_wait3A_30 = tpu.memref_slice %arg11[%add3A_8, %dma_wait3A] : memref<10240x128xf32, #tpu.memory_space<vmem_shared>> -> memref<128x128xf32, #tpu.memory_space<vmem_shared>>
      %dma_wait3A_31 = arith.constant 0 : i32
      %dma_wait3A_32 = tpu.memref_slice %arg11[%add3A_8, %dma_wait3A_31] : memref<10240x128xf32, #tpu.memory_space<vmem_shared>> -> memref<128x128xf32, #tpu.memory_space<vmem_shared>>
      tpu.wait_dma2 semaphore(%run_scoped3A : memref<!tpu.dma_semaphore, #tpu.memory_space<semaphore_mem>>) src(%arg10 : memref<128x128xf32, #tpu.memory_space<vmem>>) dst(%dma_wait3A_32 : memref<128x128xf32, #tpu.memory_space<vmem_shared>>)
      tpu.yield
    }) : () -> ()
    %add3A_9 = arith.constant 128 : i32
    %add3A_10 = arith.addi %mul3A_7, %add3A_9 : i32
    "tpu.region"() ({
      %run_scoped3A = tpu.sem_alloc : memref<!tpu.dma_semaphore, #tpu.memory_space<semaphore_mem>>
      %dma_start3A = arith.constant 0 : i32
      %dma_start3A_27 = tpu.memref_slice %arg11[%add3A_10, %dma_start3A] : memref<10240x128xf32, #tpu.memory_space<vmem_shared>> -> memref<128x128xf32, #tpu.memory_space<vmem_shared>>
      %dma_start3A_28 = arith.constant 0 : i32
      %dma_start3A_29 = tpu.memref_slice %arg11[%add3A_10, %dma_start3A_28] : memref<10240x128xf32, #tpu.memory_space<vmem_shared>> -> memref<128x128xf32, #tpu.memory_space<vmem_shared>>
      tpu.enqueue_dma source(%arg10 : memref<128x128xf32, #tpu.memory_space<vmem>>) target(%dma_start3A_29 : memref<128x128xf32, #tpu.memory_space<vmem_shared>>) target_semaphore(%run_scoped3A : memref<!tpu.dma_semaphore, #tpu.memory_space<semaphore_mem>>)
      %dma_wait3A = arith.constant 0 : i32
      %dma_wait3A_30 = tpu.memref_slice %arg11[%add3A_10, %dma_wait3A] : memref<10240x128xf32, #tpu.memory_space<vmem_shared>> -> memref<128x128xf32, #tpu.memory_space<vmem_shared>>
      %dma_wait3A_31 = arith.constant 0 : i32
      %dma_wait3A_32 = tpu.memref_slice %arg11[%add3A_10, %dma_wait3A_31] : memref<10240x128xf32, #tpu.memory_space<vmem_shared>> -> memref<128x128xf32, #tpu.memory_space<vmem_shared>>
      tpu.wait_dma2 semaphore(%run_scoped3A : memref<!tpu.dma_semaphore, #tpu.memory_space<semaphore_mem>>) src(%arg10 : memref<128x128xf32, #tpu.memory_space<vmem>>) dst(%dma_wait3A_32 : memref<128x128xf32, #tpu.memory_space<vmem_shared>>)
      tpu.yield
    }) : () -> ()
    %add3A_11 = arith.constant 256 : i32
    %add3A_12 = arith.addi %mul3A_7, %add3A_11 : i32
    "tpu.region"() ({
      %run_scoped3A = tpu.sem_alloc : memref<!tpu.dma_semaphore, #tpu.memory_space<semaphore_mem>>
      %dma_start3A = arith.constant 0 : i32
      %dma_start3A_27 = tpu.memref_slice %arg11[%add3A_12, %dma_start3A] : memref<10240x128xf32, #tpu.memory_space<vmem_shared>> -> memref<128x128xf32, #tpu.memory_space<vmem_shared>>
      %dma_start3A_28 = arith.constant 0 : i32
      %dma_start3A_29 = tpu.memref_slice %arg11[%add3A_12, %dma_start3A_28] : memref<10240x128xf32, #tpu.memory_space<vmem_shared>> -> memref<128x128xf32, #tpu.memory_space<vmem_shared>>
      tpu.enqueue_dma source(%arg10 : memref<128x128xf32, #tpu.memory_space<vmem>>) target(%dma_start3A_29 : memref<128x128xf32, #tpu.memory_space<vmem_shared>>) target_semaphore(%run_scoped3A : memref<!tpu.dma_semaphore, #tpu.memory_space<semaphore_mem>>)
      %dma_wait3A = arith.constant 0 : i32
      %dma_wait3A_30 = tpu.memref_slice %arg11[%add3A_12, %dma_wait3A] : memref<10240x128xf32, #tpu.memory_space<vmem_shared>> -> memref<128x128xf32, #tpu.memory_space<vmem_shared>>
      %dma_wait3A_31 = arith.constant 0 : i32
      %dma_wait3A_32 = tpu.memref_slice %arg11[%add3A_12, %dma_wait3A_31] : memref<10240x128xf32, #tpu.memory_space<vmem_shared>> -> memref<128x128xf32, #tpu.memory_space<vmem_shared>>
      tpu.wait_dma2 semaphore(%run_scoped3A : memref<!tpu.dma_semaphore, #tpu.memory_space<semaphore_mem>>) src(%arg10 : memref<128x128xf32, #tpu.memory_space<vmem>>) dst(%dma_wait3A_32 : memref<128x128xf32, #tpu.memory_space<vmem_shared>>)
      tpu.yield
    }) : () -> ()
    %add3A_13 = arith.constant 384 : i32
    %add3A_14 = arith.addi %mul3A_7, %add3A_13 : i32
    "tpu.region"() ({
      %run_scoped3A = tpu.sem_alloc : memref<!tpu.dma_semaphore, #tpu.memory_space<semaphore_mem>>
      %dma_start3A = arith.constant 0 : i32
      %dma_start3A_27 = tpu.memref_slice %arg11[%add3A_14, %dma_start3A] : memref<10240x128xf32, #tpu.memory_space<vmem_shared>> -> memref<128x128xf32, #tpu.memory_space<vmem_shared>>
      %dma_start3A_28 = arith.constant 0 : i32
      %dma_start3A_29 = tpu.memref_slice %arg11[%add3A_14, %dma_start3A_28] : memref<10240x128xf32, #tpu.memory_space<vmem_shared>> -> memref<128x128xf32, #tpu.memory_space<vmem_shared>>
      tpu.enqueue_dma source(%arg10 : memref<128x128xf32, #tpu.memory_space<vmem>>) target(%dma_start3A_29 : memref<128x128xf32, #tpu.memory_space<vmem_shared>>) target_semaphore(%run_scoped3A : memref<!tpu.dma_semaphore, #tpu.memory_space<semaphore_mem>>)
      %dma_wait3A = arith.constant 0 : i32
      %dma_wait3A_30 = tpu.memref_slice %arg11[%add3A_14, %dma_wait3A] : memref<10240x128xf32, #tpu.memory_space<vmem_shared>> -> memref<128x128xf32, #tpu.memory_space<vmem_shared>>
      %dma_wait3A_31 = arith.constant 0 : i32
      %dma_wait3A_32 = tpu.memref_slice %arg11[%add3A_14, %dma_wait3A_31] : memref<10240x128xf32, #tpu.memory_space<vmem_shared>> -> memref<128x128xf32, #tpu.memory_space<vmem_shared>>
      tpu.wait_dma2 semaphore(%run_scoped3A : memref<!tpu.dma_semaphore, #tpu.memory_space<semaphore_mem>>) src(%arg10 : memref<128x128xf32, #tpu.memory_space<vmem>>) dst(%dma_wait3A_32 : memref<128x128xf32, #tpu.memory_space<vmem_shared>>)
      tpu.yield
    }) : () -> ()
    %add3A_15 = arith.constant 512 : i32
    %add3A_16 = arith.addi %mul3A_7, %add3A_15 : i32
    "tpu.region"() ({
      %run_scoped3A = tpu.sem_alloc : memref<!tpu.dma_semaphore, #tpu.memory_space<semaphore_mem>>
      %dma_start3A = arith.constant 0 : i32
      %dma_start3A_27 = tpu.memref_slice %arg11[%add3A_16, %dma_start3A] : memref<10240x128xf32, #tpu.memory_space<vmem_shared>> -> memref<128x128xf32, #tpu.memory_space<vmem_shared>>
      %dma_start3A_28 = arith.constant 0 : i32
      %dma_start3A_29 = tpu.memref_slice %arg11[%add3A_16, %dma_start3A_28] : memref<10240x128xf32, #tpu.memory_space<vmem_shared>> -> memref<128x128xf32, #tpu.memory_space<vmem_shared>>
      tpu.enqueue_dma source(%arg10 : memref<128x128xf32, #tpu.memory_space<vmem>>) target(%dma_start3A_29 : memref<128x128xf32, #tpu.memory_space<vmem_shared>>) target_semaphore(%run_scoped3A : memref<!tpu.dma_semaphore, #tpu.memory_space<semaphore_mem>>)
      %dma_wait3A = arith.constant 0 : i32
      %dma_wait3A_30 = tpu.memref_slice %arg11[%add3A_16, %dma_wait3A] : memref<10240x128xf32, #tpu.memory_space<vmem_shared>> -> memref<128x128xf32, #tpu.memory_space<vmem_shared>>
      %dma_wait3A_31 = arith.constant 0 : i32
      %dma_wait3A_32 = tpu.memref_slice %arg11[%add3A_16, %dma_wait3A_31] : memref<10240x128xf32, #tpu.memory_space<vmem_shared>> -> memref<128x128xf32, #tpu.memory_space<vmem_shared>>
      tpu.wait_dma2 semaphore(%run_scoped3A : memref<!tpu.dma_semaphore, #tpu.memory_space<semaphore_mem>>) src(%arg10 : memref<128x128xf32, #tpu.memory_space<vmem>>) dst(%dma_wait3A_32 : memref<128x128xf32, #tpu.memory_space<vmem_shared>>)
      tpu.yield
    }) : () -> ()
    "tpu.region"() ({
      %run_scoped3A = tpu.sem_alloc : memref<!tpu.dma_semaphore, #tpu.memory_space<semaphore_mem>>
      %dma_start3A = arith.constant 0 : i32
      %dma_start3A_27 = arith.constant 0 : i32
      %dma_start3A_28 = tpu.memref_slice %arg3[%arg0, %arg1, %dma_start3A, %dma_start3A_27] : memref<2x16x80x128xi32, #tpu.memory_space<hbm>> -> memref<1x1x80x128xi32, #tpu.memory_space<hbm>>
      %dma_start3A_29 = tpu.memref_squeeze %dma_start3A_28 : memref<1x1x80x128xi32, #tpu.memory_space<hbm>> -> memref<80x128xi32, #tpu.memory_space<hbm>>
      %dma_start3A_30 = arith.constant 0 : i32
      %dma_start3A_31 = arith.constant 0 : i32
      %dma_start3A_32 = tpu.memref_slice %arg3[%arg0, %arg1, %dma_start3A_30, %dma_start3A_31] : memref<2x16x80x128xi32, #tpu.memory_space<hbm>> -> memref<1x1x80x128xi32, #tpu.memory_space<hbm>>
      %dma_start3A_33 = tpu.memref_squeeze %dma_start3A_32 : memref<1x1x80x128xi32, #tpu.memory_space<hbm>> -> memref<80x128xi32, #tpu.memory_space<hbm>>
      tpu.enqueue_dma source(%dma_start3A_33 : memref<80x128xi32, #tpu.memory_space<hbm>>) target(%arg7 : memref<80x128xi32, #tpu.memory_space<vmem>>) target_semaphore(%run_scoped3A : memref<!tpu.dma_semaphore, #tpu.memory_space<semaphore_mem>>)
      %dma_wait3A = arith.constant 0 : i32
      %dma_wait3A_34 = arith.constant 0 : i32
      %dma_wait3A_35 = tpu.memref_slice %arg3[%arg0, %arg1, %dma_wait3A, %dma_wait3A_34] : memref<2x16x80x128xi32, #tpu.memory_space<hbm>> -> memref<1x1x80x128xi32, #tpu.memory_space<hbm>>
      %dma_wait3A_36 = tpu.memref_squeeze %dma_wait3A_35 : memref<1x1x80x128xi32, #tpu.memory_space<hbm>> -> memref<80x128xi32, #tpu.memory_space<hbm>>
      %dma_wait3A_37 = arith.constant 0 : i32
      %dma_wait3A_38 = arith.constant 0 : i32
      %dma_wait3A_39 = tpu.memref_slice %arg3[%arg0, %arg1, %dma_wait3A_37, %dma_wait3A_38] : memref<2x16x80x128xi32, #tpu.memory_space<hbm>> -> memref<1x1x80x128xi32, #tpu.memory_space<hbm>>
      %dma_wait3A_40 = tpu.memref_squeeze %dma_wait3A_39 : memref<1x1x80x128xi32, #tpu.memory_space<hbm>> -> memref<80x128xi32, #tpu.memory_space<hbm>>
      tpu.wait_dma2 semaphore(%run_scoped3A : memref<!tpu.dma_semaphore, #tpu.memory_space<semaphore_mem>>) src(%dma_wait3A_40 : memref<80x128xi32, #tpu.memory_space<hbm>>) dst(%arg7 : memref<80x128xi32, #tpu.memory_space<vmem>>)
      tpu.yield
    }) : () -> ()
    "tpu.region"() ({
      %run_scoped3A = tpu.sem_alloc : memref<!tpu.dma_semaphore, #tpu.memory_space<semaphore_mem>>
      %dma_start3A = arith.constant 0 : i32
      %dma_start3A_27 = arith.constant 0 : i32
      %dma_start3A_28 = tpu.memref_slice %arg4[%arg0, %arg1, %dma_start3A, %dma_start3A_27] : memref<2x16x80x128xi32, #tpu.memory_space<hbm>> -> memref<1x1x80x128xi32, #tpu.memory_space<hbm>>
      %dma_start3A_29 = tpu.memref_squeeze %dma_start3A_28 : memref<1x1x80x128xi32, #tpu.memory_space<hbm>> -> memref<80x128xi32, #tpu.memory_space<hbm>>
      %dma_start3A_30 = arith.constant 0 : i32
      %dma_start3A_31 = arith.constant 0 : i32
      %dma_start3A_32 = tpu.memref_slice %arg4[%arg0, %arg1, %dma_start3A_30, %dma_start3A_31] : memref<2x16x80x128xi32, #tpu.memory_space<hbm>> -> memref<1x1x80x128xi32, #tpu.memory_space<hbm>>
      %dma_start3A_33 = tpu.memref_squeeze %dma_start3A_32 : memref<1x1x80x128xi32, #tpu.memory_space<hbm>> -> memref<80x128xi32, #tpu.memory_space<hbm>>
      tpu.enqueue_dma source(%dma_start3A_33 : memref<80x128xi32, #tpu.memory_space<hbm>>) target(%arg8 : memref<80x128xi32, #tpu.memory_space<vmem>>) target_semaphore(%run_scoped3A : memref<!tpu.dma_semaphore, #tpu.memory_space<semaphore_mem>>)
      %dma_wait3A = arith.constant 0 : i32
      %dma_wait3A_34 = arith.constant 0 : i32
      %dma_wait3A_35 = tpu.memref_slice %arg4[%arg0, %arg1, %dma_wait3A, %dma_wait3A_34] : memref<2x16x80x128xi32, #tpu.memory_space<hbm>> -> memref<1x1x80x128xi32, #tpu.memory_space<hbm>>
      %dma_wait3A_36 = tpu.memref_squeeze %dma_wait3A_35 : memref<1x1x80x128xi32, #tpu.memory_space<hbm>> -> memref<80x128xi32, #tpu.memory_space<hbm>>
      %dma_wait3A_37 = arith.constant 0 : i32
      %dma_wait3A_38 = arith.constant 0 : i32
      %dma_wait3A_39 = tpu.memref_slice %arg4[%arg0, %arg1, %dma_wait3A_37, %dma_wait3A_38] : memref<2x16x80x128xi32, #tpu.memory_space<hbm>> -> memref<1x1x80x128xi32, #tpu.memory_space<hbm>>
      %dma_wait3A_40 = tpu.memref_squeeze %dma_wait3A_39 : memref<1x1x80x128xi32, #tpu.memory_space<hbm>> -> memref<80x128xi32, #tpu.memory_space<hbm>>
      tpu.wait_dma2 semaphore(%run_scoped3A : memref<!tpu.dma_semaphore, #tpu.memory_space<semaphore_mem>>) src(%dma_wait3A_40 : memref<80x128xi32, #tpu.memory_space<hbm>>) dst(%arg8 : memref<80x128xi32, #tpu.memory_space<vmem>>)
      tpu.yield
    }) : () -> ()
    "tpu.region"() ({
      %run_scoped3A = tpu.sem_alloc : memref<!tpu.dma_semaphore, #tpu.memory_space<semaphore_mem>>
      %dma_start3A = arith.constant 0 : i32
      %dma_start3A_27 = arith.constant 0 : i32
      %dma_start3A_28 = tpu.memref_slice %arg5[%arg0, %arg1, %dma_start3A, %dma_start3A_27] : memref<2x16x80x128xf32, #tpu.memory_space<hbm>> -> memref<1x1x80x128xf32, #tpu.memory_space<hbm>>
      %dma_start3A_29 = tpu.memref_squeeze %dma_start3A_28 : memref<1x1x80x128xf32, #tpu.memory_space<hbm>> -> memref<80x128xf32, #tpu.memory_space<hbm>>
      %dma_start3A_30 = arith.constant 0 : i32
      %dma_start3A_31 = arith.constant 0 : i32
      %dma_start3A_32 = tpu.memref_slice %arg5[%arg0, %arg1, %dma_start3A_30, %dma_start3A_31] : memref<2x16x80x128xf32, #tpu.memory_space<hbm>> -> memref<1x1x80x128xf32, #tpu.memory_space<hbm>>
      %dma_start3A_33 = tpu.memref_squeeze %dma_start3A_32 : memref<1x1x80x128xf32, #tpu.memory_space<hbm>> -> memref<80x128xf32, #tpu.memory_space<hbm>>
      tpu.enqueue_dma source(%dma_start3A_33 : memref<80x128xf32, #tpu.memory_space<hbm>>) target(%arg9 : memref<80x128xf32, #tpu.memory_space<vmem>>) target_semaphore(%run_scoped3A : memref<!tpu.dma_semaphore, #tpu.memory_space<semaphore_mem>>)
      %dma_wait3A = arith.constant 0 : i32
      %dma_wait3A_34 = arith.constant 0 : i32
      %dma_wait3A_35 = tpu.memref_slice %arg5[%arg0, %arg1, %dma_wait3A, %dma_wait3A_34] : memref<2x16x80x128xf32, #tpu.memory_space<hbm>> -> memref<1x1x80x128xf32, #tpu.memory_space<hbm>>
      %dma_wait3A_36 = tpu.memref_squeeze %dma_wait3A_35 : memref<1x1x80x128xf32, #tpu.memory_space<hbm>> -> memref<80x128xf32, #tpu.memory_space<hbm>>
      %dma_wait3A_37 = arith.constant 0 : i32
      %dma_wait3A_38 = arith.constant 0 : i32
      %dma_wait3A_39 = tpu.memref_slice %arg5[%arg0, %arg1, %dma_wait3A_37, %dma_wait3A_38] : memref<2x16x80x128xf32, #tpu.memory_space<hbm>> -> memref<1x1x80x128xf32, #tpu.memory_space<hbm>>
      %dma_wait3A_40 = tpu.memref_squeeze %dma_wait3A_39 : memref<1x1x80x128xf32, #tpu.memory_space<hbm>> -> memref<80x128xf32, #tpu.memory_space<hbm>>
      tpu.wait_dma2 semaphore(%run_scoped3A : memref<!tpu.dma_semaphore, #tpu.memory_space<semaphore_mem>>) src(%dma_wait3A_40 : memref<80x128xf32, #tpu.memory_space<hbm>>) dst(%arg9 : memref<80x128xf32, #tpu.memory_space<vmem>>)
      tpu.yield
    }) : () -> ()
    %barrier3A = arith.constant 0 : index
    tpu.barrier barrier_id(%barrier3A)
    %scan3A_17 = arith.constant 0 : i32
    %scan3A_18 = arith.constant 0 : i32
    %scan3A_19 = arith.constant 80 : i32
    %scan3A_20 = arith.addi %scan3A_18, %scan3A_19 : i32
    %scan3A_21 = arith.constant 1 : i32
    %scan3A_22 = scf.for %scan3A_27 = %scan3A_18 to %scan3A_20 step %scan3A_21 iter_args(%scan3A_28 = %scan3A_17) -> (i32)  : i32 {
      %dma_start3A = arith.constant 0 : i32
      %dma_start3A_29 = tpu.memref_slice %arg7[%scan3A_27, %dma_start3A] : memref<80x128xi32, #tpu.memory_space<vmem>> -> memref<1x128xi32, #tpu.memory_space<vmem>>
      %dma_start3A_30 = tpu.memref_squeeze %dma_start3A_29 : memref<1x128xi32, #tpu.memory_space<vmem>> -> memref<128xi32, #tpu.memory_space<vmem>>
      %dma_start3A_31 = arith.constant 0 : i32
      %dma_start3A_32 = arith.constant 0 : i32
      %dma_start3A_33 = tpu.memref_slice %arg2[%dma_start3A_31, %dma_start3A_32] : memref<10240x128xf32, #tpu.memory_space<hbm>> -> memref<10240x128xf32, #tpu.memory_space<hbm>>
      tpu.enqueue_indirect_dma source(%dma_start3A_33 : memref<10240x128xf32, #tpu.memory_space<hbm>>) target(%arg10 : memref<128x128xf32, #tpu.memory_space<vmem>>) offsets(%dma_start3A_30 : memref<128xi32, #tpu.memory_space<vmem>>) semaphore(%arg12 : memref<!tpu.dma_semaphore, #tpu.memory_space<semaphore_mem>>)
      %dma_wait3A = arith.constant 0 : i32
      %dma_wait3A_34 = tpu.memref_slice %arg7[%scan3A_27, %dma_wait3A] : memref<80x128xi32, #tpu.memory_space<vmem>> -> memref<1x128xi32, #tpu.memory_space<vmem>>
      %dma_wait3A_35 = tpu.memref_squeeze %dma_wait3A_34 : memref<1x128xi32, #tpu.memory_space<vmem>> -> memref<128xi32, #tpu.memory_space<vmem>>
      %dma_wait3A_36 = arith.constant 0 : i32
      %dma_wait3A_37 = arith.constant 0 : i32
      %dma_wait3A_38 = tpu.memref_slice %arg2[%dma_wait3A_36, %dma_wait3A_37] : memref<10240x128xf32, #tpu.memory_space<hbm>> -> memref<10240x128xf32, #tpu.memory_space<hbm>>
      tpu.wait_indirect_dma semaphore(%arg12 : memref<!tpu.dma_semaphore, #tpu.memory_space<semaphore_mem>>) src(%dma_wait3A_38 : memref<10240x128xf32, #tpu.memory_space<hbm>>) dst(%arg10 : memref<128x128xf32, #tpu.memory_space<vmem>>)
      %scan3A_39 = arith.constant 0 : i32
      %scan3A_40 = arith.constant 0 : i32
      %scan3A_41 = arith.constant 8 : i32
      %scan3A_42 = arith.addi %scan3A_40, %scan3A_41 : i32
      %scan3A_43 = arith.constant 1 : i32
      %scan3A_44 = scf.for %scan3A_47 = %scan3A_40 to %scan3A_42 step %scan3A_43 iter_args(%scan3A_48 = %scan3A_39) -> (i32)  : i32 {
        %mul3A_49 = arith.constant 16 : i32
        %mul3A_50 = arith.muli %scan3A_47, %mul3A_49 : i32
        %get3A = arith.index_cast %scan3A_27 : i32 to index
        %get3A_51 = arith.index_cast %mul3A_50 : i32 to index
        %get3A_52 = tpu.vector_load %arg9[%get3A, %get3A_51] {strides = array<i32>} : memref<80x128xf32, #tpu.memory_space<vmem>>, vector<1x16xf32>,
        %get3A_53 = vector.shape_cast %get3A_52 : vector<1x16xf32> to vector<16xf32>
        %slice3A = vector.extract_strided_slice %get3A_53 {offsets = [0], sizes = [1], strides = [1]} : vector<16xf32> to vector<1xf32>
        %squeeze3A = vector.extract %slice3A[0] : f32 from vector<1xf32>
        %slice3A_54 = vector.extract_strided_slice %get3A_53 {offsets = [1], sizes = [1], strides = [1]} : vector<16xf32> to vector<1xf32>
        %squeeze3A_55 = vector.extract %slice3A_54[0] : f32 from vector<1xf32>
        %slice3A_56 = vector.extract_strided_slice %get3A_53 {offsets = [2], sizes = [1], strides = [1]} : vector<16xf32> to vector<1xf32>
        %squeeze3A_57 = vector.extract %slice3A_56[0] : f32 from vector<1xf32>
        %slice3A_58 = vector.extract_strided_slice %get3A_53 {offsets = [3], sizes = [1], strides = [1]} : vector<16xf32> to vector<1xf32>
        %squeeze3A_59 = vector.extract %slice3A_58[0] : f32 from vector<1xf32>
        %slice3A_60 = vector.extract_strided_slice %get3A_53 {offsets = [4], sizes = [1], strides = [1]} : vector<16xf32> to vector<1xf32>
        %squeeze3A_61 = vector.extract %slice3A_60[0] : f32 from vector<1xf32>
        %slice3A_62 = vector.extract_strided_slice %get3A_53 {offsets = [5], sizes = [1], strides = [1]} : vector<16xf32> to vector<1xf32>
        %squeeze3A_63 = vector.extract %slice3A_62[0] : f32 from vector<1xf32>
        %slice3A_64 = vector.extract_strided_slice %get3A_53 {offsets = [6], sizes = [1], strides = [1]} : vector<16xf32> to vector<1xf32>
        %squeeze3A_65 = vector.extract %slice3A_64[0] : f32 from vector<1xf32>
        %slice3A_66 = vector.extract_strided_slice %get3A_53 {offsets = [7], sizes = [1], strides = [1]} : vector<16xf32> to vector<1xf32>
        %squeeze3A_67 = vector.extract %slice3A_66[0] : f32 from vector<1xf32>
        %slice3A_68 = vector.extract_strided_slice %get3A_53 {offsets = [8], sizes = [1], strides = [1]} : vector<16xf32> to vector<1xf32>
        %squeeze3A_69 = vector.extract %slice3A_68[0] : f32 from vector<1xf32>
        %slice3A_70 = vector.extract_strided_slice %get3A_53 {offsets = [9], sizes = [1], strides = [1]} : vector<16xf32> to vector<1xf32>
        %squeeze3A_71 = vector.extract %slice3A_70[0] : f32 from vector<1xf32>
        %slice3A_72 = vector.extract_strided_slice %get3A_53 {offsets = [10], sizes = [1], strides = [1]} : vector<16xf32> to vector<1xf32>
        %squeeze3A_73 = vector.extract %slice3A_72[0] : f32 from vector<1xf32>
        %slice3A_74 = vector.extract_strided_slice %get3A_53 {offsets = [11], sizes = [1], strides = [1]} : vector<16xf32> to vector<1xf32>
        %squeeze3A_75 = vector.extract %slice3A_74[0] : f32 from vector<1xf32>
        %slice3A_76 = vector.extract_strided_slice %get3A_53 {offsets = [12], sizes = [1], strides = [1]} : vector<16xf32> to vector<1xf32>
        %squeeze3A_77 = vector.extract %slice3A_76[0] : f32 from vector<1xf32>
        %slice3A_78 = vector.extract_strided_slice %get3A_53 {offsets = [13], sizes = [1], strides = [1]} : vector<16xf32> to vector<1xf32>
        %squeeze3A_79 = vector.extract %slice3A_78[0] : f32 from vector<1xf32>
        %slice3A_80 = vector.extract_strided_slice %get3A_53 {offsets = [14], sizes = [1], strides = [1]} : vector<16xf32> to vector<1xf32>
        %squeeze3A_81 = vector.extract %slice3A_80[0] : f32 from vector<1xf32>
        %slice3A_82 = vector.extract_strided_slice %get3A_53 {offsets = [15], sizes = [1], strides = [1]} : vector<16xf32> to vector<1xf32>
        %squeeze3A_83 = vector.extract %slice3A_82[0] : f32 from vector<1xf32>
        %scan3A_84 = arith.constant 0 : i32
        %scan3A_85 = arith.constant 0 : i32
        %scan3A_86 = arith.constant 8 : i32
        %scan3A_87 = arith.addi %scan3A_85, %scan3A_86 : i32
        %scan3A_88 = arith.constant 1 : i32
        %scan3A_89 = scf.for %scan3A_92 = %scan3A_85 to %scan3A_87 step %scan3A_88 iter_args(%scan3A_93 = %scan3A_84) -> (i32)  : i32 {
          %mul3A_94 = arith.constant 16 : i32
          %mul3A_95 = arith.muli %scan3A_92, %mul3A_94 : i32
          %mul3A_96 = arith.constant 16 : i32
          %mul3A_97 = arith.muli %scan3A_47, %mul3A_96 : i32
          %add3A_98 = arith.constant 0 : i32
          %add3A_99 = arith.addi %mul3A_97, %add3A_98 : i32
          %get3A_100 = arith.index_cast %add3A_99 : i32 to index
          %get3A_101 = arith.index_cast %mul3A_95 : i32 to index
          %get3A_102 = tpu.vector_load %arg10[%get3A_100, %get3A_101] {strides = array<i32>} : memref<128x128xf32, #tpu.memory_space<vmem>>, vector<1x16xf32>,
          %get3A_103 = vector.shape_cast %get3A_102 : vector<1x16xf32> to vector<16xf32>
          %mul3A_104 = vector.broadcast %squeeze3A : f32 to vector<16xf32>
          %mul3A_105 = arith.mulf %get3A_103, %mul3A_104 : vector<16xf32>
          %swap3A = arith.index_cast %add3A_99 : i32 to index
          %swap3A_106 = arith.index_cast %mul3A_95 : i32 to index
          %swap3A_107 = tpu.vector_load %arg10[%swap3A, %swap3A_106] {strides = array<i32>} : memref<128x128xf32, #tpu.memory_space<vmem>>, vector<1x16xf32>,
          %swap3A_108 = vector.shape_cast %swap3A_107 : vector<1x16xf32> to vector<16xf32>
          %swap3A_109 = vector.shape_cast %mul3A_105 : vector<16xf32> to vector<1x16xf32>
          tpu.vector_store %arg10[%swap3A, %swap3A_106], %swap3A_109 {strides = array<i32>} : memref<128x128xf32, #tpu.memory_space<vmem>>, vector<1x16xf32>,
          %mul3A_110 = arith.constant 16 : i32
          %mul3A_111 = arith.muli %scan3A_47, %mul3A_110 : i32
          %add3A_112 = arith.constant 1 : i32
          %add3A_113 = arith.addi %mul3A_111, %add3A_112 : i32
          %get3A_114 = arith.index_cast %add3A_113 : i32 to index
          %get3A_115 = arith.index_cast %mul3A_95 : i32 to index
          %get3A_116 = tpu.vector_load %arg10[%get3A_114, %get3A_115] {strides = array<i32>} : memref<128x128xf32, #tpu.memory_space<vmem>>, vector<1x16xf32>,
          %get3A_117 = vector.shape_cast %get3A_116 : vector<1x16xf32> to vector<16xf32>
          %mul3A_118 = vector.broadcast %squeeze3A_55 : f32 to vector<16xf32>
          %mul3A_119 = arith.mulf %get3A_117, %mul3A_118 : vector<16xf32>
          %swap3A_120 = arith.index_cast %add3A_113 : i32 to index
          %swap3A_121 = arith.index_cast %mul3A_95 : i32 to index
          %swap3A_122 = tpu.vector_load %arg10[%swap3A_120, %swap3A_121] {strides = array<i32>} : memref<128x128xf32, #tpu.memory_space<vmem>>, vector<1x16xf32>,
          %swap3A_123 = vector.shape_cast %swap3A_122 : vector<1x16xf32> to vector<16xf32>
          %swap3A_124 = vector.shape_cast %mul3A_119 : vector<16xf32> to vector<1x16xf32>
          tpu.vector_store %arg10[%swap3A_120, %swap3A_121], %swap3A_124 {strides = array<i32>} : memref<128x128xf32, #tpu.memory_space<vmem>>, vector<1x16xf32>,
          %mul3A_125 = arith.constant 16 : i32
          %mul3A_126 = arith.muli %scan3A_47, %mul3A_125 : i32
          %add3A_127 = arith.constant 2 : i32
          %add3A_128 = arith.addi %mul3A_126, %add3A_127 : i32
          %get3A_129 = arith.index_cast %add3A_128 : i32 to index
          %get3A_130 = arith.index_cast %mul3A_95 : i32 to index
          %get3A_131 = tpu.vector_load %arg10[%get3A_129, %get3A_130] {strides = array<i32>} : memref<128x128xf32, #tpu.memory_space<vmem>>, vector<1x16xf32>,
          %get3A_132 = vector.shape_cast %get3A_131 : vector<1x16xf32> to vector<16xf32>
          %mul3A_133 = vector.broadcast %squeeze3A_57 : f32 to vector<16xf32>
          %mul3A_134 = arith.mulf %get3A_132, %mul3A_133 : vector<16xf32>
          %swap3A_135 = arith.index_cast %add3A_128 : i32 to index
          %swap3A_136 = arith.index_cast %mul3A_95 : i32 to index
          %swap3A_137 = tpu.vector_load %arg10[%swap3A_135, %swap3A_136] {strides = array<i32>} : memref<128x128xf32, #tpu.memory_space<vmem>>, vector<1x16xf32>,
          %swap3A_138 = vector.shape_cast %swap3A_137 : vector<1x16xf32> to vector<16xf32>
          %swap3A_139 = vector.shape_cast %mul3A_134 : vector<16xf32> to vector<1x16xf32>
          tpu.vector_store %arg10[%swap3A_135, %swap3A_136], %swap3A_139 {strides = array<i32>} : memref<128x128xf32, #tpu.memory_space<vmem>>, vector<1x16xf32>,
          %mul3A_140 = arith.constant 16 : i32
          %mul3A_141 = arith.muli %scan3A_47, %mul3A_140 : i32
          %add3A_142 = arith.constant 3 : i32
          %add3A_143 = arith.addi %mul3A_141, %add3A_142 : i32
          %get3A_144 = arith.index_cast %add3A_143 : i32 to index
          %get3A_145 = arith.index_cast %mul3A_95 : i32 to index
          %get3A_146 = tpu.vector_load %arg10[%get3A_144, %get3A_145] {strides = array<i32>} : memref<128x128xf32, #tpu.memory_space<vmem>>, vector<1x16xf32>,
          %get3A_147 = vector.shape_cast %get3A_146 : vector<1x16xf32> to vector<16xf32>
          %mul3A_148 = vector.broadcast %squeeze3A_59 : f32 to vector<16xf32>
          %mul3A_149 = arith.mulf %get3A_147, %mul3A_148 : vector<16xf32>
          %swap3A_150 = arith.index_cast %add3A_143 : i32 to index
          %swap3A_151 = arith.index_cast %mul3A_95 : i32 to index
          %swap3A_152 = tpu.vector_load %arg10[%swap3A_150, %swap3A_151] {strides = array<i32>} : memref<128x128xf32, #tpu.memory_space<vmem>>, vector<1x16xf32>,
          %swap3A_153 = vector.shape_cast %swap3A_152 : vector<1x16xf32> to vector<16xf32>
          %swap3A_154 = vector.shape_cast %mul3A_149 : vector<16xf32> to vector<1x16xf32>
          tpu.vector_store %arg10[%swap3A_150, %swap3A_151], %swap3A_154 {strides = array<i32>} : memref<128x128xf32, #tpu.memory_space<vmem>>, vector<1x16xf32>,
          %mul3A_155 = arith.constant 16 : i32
          %mul3A_156 = arith.muli %scan3A_47, %mul3A_155 : i32
          %add3A_157 = arith.constant 4 : i32
          %add3A_158 = arith.addi %mul3A_156, %add3A_157 : i32
          %get3A_159 = arith.index_cast %add3A_158 : i32 to index
          %get3A_160 = arith.index_cast %mul3A_95 : i32 to index
          %get3A_161 = tpu.vector_load %arg10[%get3A_159, %get3A_160] {strides = array<i32>} : memref<128x128xf32, #tpu.memory_space<vmem>>, vector<1x16xf32>,
          %get3A_162 = vector.shape_cast %get3A_161 : vector<1x16xf32> to vector<16xf32>
          %mul3A_163 = vector.broadcast %squeeze3A_61 : f32 to vector<16xf32>
          %mul3A_164 = arith.mulf %get3A_162, %mul3A_163 : vector<16xf32>
          %swap3A_165 = arith.index_cast %add3A_158 : i32 to index
          %swap3A_166 = arith.index_cast %mul3A_95 : i32 to index
          %swap3A_167 = tpu.vector_load %arg10[%swap3A_165, %swap3A_166] {strides = array<i32>} : memref<128x128xf32, #tpu.memory_space<vmem>>, vector<1x16xf32>,
          %swap3A_168 = vector.shape_cast %swap3A_167 : vector<1x16xf32> to vector<16xf32>
          %swap3A_169 = vector.shape_cast %mul3A_164 : vector<16xf32> to vector<1x16xf32>
          tpu.vector_store %arg10[%swap3A_165, %swap3A_166], %swap3A_169 {strides = array<i32>} : memref<128x128xf32, #tpu.memory_space<vmem>>, vector<1x16xf32>,
          %mul3A_170 = arith.constant 16 : i32
          %mul3A_171 = arith.muli %scan3A_47, %mul3A_170 : i32
          %add3A_172 = arith.constant 5 : i32
          %add3A_173 = arith.addi %mul3A_171, %add3A_172 : i32
          %get3A_174 = arith.index_cast %add3A_173 : i32 to index
          %get3A_175 = arith.index_cast %mul3A_95 : i32 to index
          %get3A_176 = tpu.vector_load %arg10[%get3A_174, %get3A_175] {strides = array<i32>} : memref<128x128xf32, #tpu.memory_space<vmem>>, vector<1x16xf32>,
          %get3A_177 = vector.shape_cast %get3A_176 : vector<1x16xf32> to vector<16xf32>
          %mul3A_178 = vector.broadcast %squeeze3A_63 : f32 to vector<16xf32>
          %mul3A_179 = arith.mulf %get3A_177, %mul3A_178 : vector<16xf32>
          %swap3A_180 = arith.index_cast %add3A_173 : i32 to index
          %swap3A_181 = arith.index_cast %mul3A_95 : i32 to index
          %swap3A_182 = tpu.vector_load %arg10[%swap3A_180, %swap3A_181] {strides = array<i32>} : memref<128x128xf32, #tpu.memory_space<vmem>>, vector<1x16xf32>,
          %swap3A_183 = vector.shape_cast %swap3A_182 : vector<1x16xf32> to vector<16xf32>
          %swap3A_184 = vector.shape_cast %mul3A_179 : vector<16xf32> to vector<1x16xf32>
          tpu.vector_store %arg10[%swap3A_180, %swap3A_181], %swap3A_184 {strides = array<i32>} : memref<128x128xf32, #tpu.memory_space<vmem>>, vector<1x16xf32>,
          %mul3A_185 = arith.constant 16 : i32
          %mul3A_186 = arith.muli %scan3A_47, %mul3A_185 : i32
          %add3A_187 = arith.constant 6 : i32
          %add3A_188 = arith.addi %mul3A_186, %add3A_187 : i32
          %get3A_189 = arith.index_cast %add3A_188 : i32 to index
          %get3A_190 = arith.index_cast %mul3A_95 : i32 to index
          %get3A_191 = tpu.vector_load %arg10[%get3A_189, %get3A_190] {strides = array<i32>} : memref<128x128xf32, #tpu.memory_space<vmem>>, vector<1x16xf32>,
          %get3A_192 = vector.shape_cast %get3A_191 : vector<1x16xf32> to vector<16xf32>
          %mul3A_193 = vector.broadcast %squeeze3A_65 : f32 to vector<16xf32>
          %mul3A_194 = arith.mulf %get3A_192, %mul3A_193 : vector<16xf32>
          %swap3A_195 = arith.index_cast %add3A_188 : i32 to index
          %swap3A_196 = arith.index_cast %mul3A_95 : i32 to index
          %swap3A_197 = tpu.vector_load %arg10[%swap3A_195, %swap3A_196] {strides = array<i32>} : memref<128x128xf32, #tpu.memory_space<vmem>>, vector<1x16xf32>,
          %swap3A_198 = vector.shape_cast %swap3A_197 : vector<1x16xf32> to vector<16xf32>
          %swap3A_199 = vector.shape_cast %mul3A_194 : vector<16xf32> to vector<1x16xf32>
          tpu.vector_store %arg10[%swap3A_195, %swap3A_196], %swap3A_199 {strides = array<i32>} : memref<128x128xf32, #tpu.memory_space<vmem>>, vector<1x16xf32>,
          %mul3A_200 = arith.constant 16 : i32
          %mul3A_201 = arith.muli %scan3A_47, %mul3A_200 : i32
          %add3A_202 = arith.constant 7 : i32
          %add3A_203 = arith.addi %mul3A_201, %add3A_202 : i32
          %get3A_204 = arith.index_cast %add3A_203 : i32 to index
          %get3A_205 = arith.index_cast %mul3A_95 : i32 to index
          %get3A_206 = tpu.vector_load %arg10[%get3A_204, %get3A_205] {strides = array<i32>} : memref<128x128xf32, #tpu.memory_space<vmem>>, vector<1x16xf32>,
          %get3A_207 = vector.shape_cast %get3A_206 : vector<1x16xf32> to vector<16xf32>
          %mul3A_208 = vector.broadcast %squeeze3A_67 : f32 to vector<16xf32>
          %mul3A_209 = arith.mulf %get3A_207, %mul3A_208 : vector<16xf32>
          %swap3A_210 = arith.index_cast %add3A_203 : i32 to index
          %swap3A_211 = arith.index_cast %mul3A_95 : i32 to index
          %swap3A_212 = tpu.vector_load %arg10[%swap3A_210, %swap3A_211] {strides = array<i32>} : memref<128x128xf32, #tpu.memory_space<vmem>>, vector<1x16xf32>,
          %swap3A_213 = vector.shape_cast %swap3A_212 : vector<1x16xf32> to vector<16xf32>
          %swap3A_214 = vector.shape_cast %mul3A_209 : vector<16xf32> to vector<1x16xf32>
          tpu.vector_store %arg10[%swap3A_210, %swap3A_211], %swap3A_214 {strides = array<i32>} : memref<128x128xf32, #tpu.memory_space<vmem>>, vector<1x16xf32>,
          %mul3A_215 = arith.constant 16 : i32
          %mul3A_216 = arith.muli %scan3A_47, %mul3A_215 : i32
          %add3A_217 = arith.constant 8 : i32
          %add3A_218 = arith.addi %mul3A_216, %add3A_217 : i32
          %get3A_219 = arith.index_cast %add3A_218 : i32 to index
          %get3A_220 = arith.index_cast %mul3A_95 : i32 to index
          %get3A_221 = tpu.vector_load %arg10[%get3A_219, %get3A_220] {strides = array<i32>} : memref<128x128xf32, #tpu.memory_space<vmem>>, vector<1x16xf32>,
          %get3A_222 = vector.shape_cast %get3A_221 : vector<1x16xf32> to vector<16xf32>
          %mul3A_223 = vector.broadcast %squeeze3A_69 : f32 to vector<16xf32>
          %mul3A_224 = arith.mulf %get3A_222, %mul3A_223 : vector<16xf32>
          %swap3A_225 = arith.index_cast %add3A_218 : i32 to index
          %swap3A_226 = arith.index_cast %mul3A_95 : i32 to index
          %swap3A_227 = tpu.vector_load %arg10[%swap3A_225, %swap3A_226] {strides = array<i32>} : memref<128x128xf32, #tpu.memory_space<vmem>>, vector<1x16xf32>,
          %swap3A_228 = vector.shape_cast %swap3A_227 : vector<1x16xf32> to vector<16xf32>
          %swap3A_229 = vector.shape_cast %mul3A_224 : vector<16xf32> to vector<1x16xf32>
          tpu.vector_store %arg10[%swap3A_225, %swap3A_226], %swap3A_229 {strides = array<i32>} : memref<128x128xf32, #tpu.memory_space<vmem>>, vector<1x16xf32>,
          %mul3A_230 = arith.constant 16 : i32
          %mul3A_231 = arith.muli %scan3A_47, %mul3A_230 : i32
          %add3A_232 = arith.constant 9 : i32
          %add3A_233 = arith.addi %mul3A_231, %add3A_232 : i32
          %get3A_234 = arith.index_cast %add3A_233 : i32 to index
          %get3A_235 = arith.index_cast %mul3A_95 : i32 to index
          %get3A_236 = tpu.vector_load %arg10[%get3A_234, %get3A_235] {strides = array<i32>} : memref<128x128xf32, #tpu.memory_space<vmem>>, vector<1x16xf32>,
          %get3A_237 = vector.shape_cast %get3A_236 : vector<1x16xf32> to vector<16xf32>
          %mul3A_238 = vector.broadcast %squeeze3A_71 : f32 to vector<16xf32>
          %mul3A_239 = arith.mulf %get3A_237, %mul3A_238 : vector<16xf32>
          %swap3A_240 = arith.index_cast %add3A_233 : i32 to index
          %swap3A_241 = arith.index_cast %mul3A_95 : i32 to index
          %swap3A_242 = tpu.vector_load %arg10[%swap3A_240, %swap3A_241] {strides = array<i32>} : memref<128x128xf32, #tpu.memory_space<vmem>>, vector<1x16xf32>,
          %swap3A_243 = vector.shape_cast %swap3A_242 : vector<1x16xf32> to vector<16xf32>
          %swap3A_244 = vector.shape_cast %mul3A_239 : vector<16xf32> to vector<1x16xf32>
          tpu.vector_store %arg10[%swap3A_240, %swap3A_241], %swap3A_244 {strides = array<i32>} : memref<128x128xf32, #tpu.memory_space<vmem>>, vector<1x16xf32>,
          %mul3A_245 = arith.constant 16 : i32
          %mul3A_246 = arith.muli %scan3A_47, %mul3A_245 : i32
          %add3A_247 = arith.constant 10 : i32
          %add3A_248 = arith.addi %mul3A_246, %add3A_247 : i32
          %get3A_249 = arith.index_cast %add3A_248 : i32 to index
          %get3A_250 = arith.index_cast %mul3A_95 : i32 to index
          %get3A_251 = tpu.vector_load %arg10[%get3A_249, %get3A_250] {strides = array<i32>} : memref<128x128xf32, #tpu.memory_space<vmem>>, vector<1x16xf32>,
          %get3A_252 = vector.shape_cast %get3A_251 : vector<1x16xf32> to vector<16xf32>
          %mul3A_253 = vector.broadcast %squeeze3A_73 : f32 to vector<16xf32>
          %mul3A_254 = arith.mulf %get3A_252, %mul3A_253 : vector<16xf32>
          %swap3A_255 = arith.index_cast %add3A_248 : i32 to index
          %swap3A_256 = arith.index_cast %mul3A_95 : i32 to index
          %swap3A_257 = tpu.vector_load %arg10[%swap3A_255, %swap3A_256] {strides = array<i32>} : memref<128x128xf32, #tpu.memory_space<vmem>>, vector<1x16xf32>,
          %swap3A_258 = vector.shape_cast %swap3A_257 : vector<1x16xf32> to vector<16xf32>
          %swap3A_259 = vector.shape_cast %mul3A_254 : vector<16xf32> to vector<1x16xf32>
          tpu.vector_store %arg10[%swap3A_255, %swap3A_256], %swap3A_259 {strides = array<i32>} : memref<128x128xf32, #tpu.memory_space<vmem>>, vector<1x16xf32>,
          %mul3A_260 = arith.constant 16 : i32
          %mul3A_261 = arith.muli %scan3A_47, %mul3A_260 : i32
          %add3A_262 = arith.constant 11 : i32
          %add3A_263 = arith.addi %mul3A_261, %add3A_262 : i32
          %get3A_264 = arith.index_cast %add3A_263 : i32 to index
          %get3A_265 = arith.index_cast %mul3A_95 : i32 to index
          %get3A_266 = tpu.vector_load %arg10[%get3A_264, %get3A_265] {strides = array<i32>} : memref<128x128xf32, #tpu.memory_space<vmem>>, vector<1x16xf32>,
          %get3A_267 = vector.shape_cast %get3A_266 : vector<1x16xf32> to vector<16xf32>
          %mul3A_268 = vector.broadcast %squeeze3A_75 : f32 to vector<16xf32>
          %mul3A_269 = arith.mulf %get3A_267, %mul3A_268 : vector<16xf32>
          %swap3A_270 = arith.index_cast %add3A_263 : i32 to index
          %swap3A_271 = arith.index_cast %mul3A_95 : i32 to index
          %swap3A_272 = tpu.vector_load %arg10[%swap3A_270, %swap3A_271] {strides = array<i32>} : memref<128x128xf32, #tpu.memory_space<vmem>>, vector<1x16xf32>,
          %swap3A_273 = vector.shape_cast %swap3A_272 : vector<1x16xf32> to vector<16xf32>
          %swap3A_274 = vector.shape_cast %mul3A_269 : vector<16xf32> to vector<1x16xf32>
          tpu.vector_store %arg10[%swap3A_270, %swap3A_271], %swap3A_274 {strides = array<i32>} : memref<128x128xf32, #tpu.memory_space<vmem>>, vector<1x16xf32>,
          %mul3A_275 = arith.constant 16 : i32
          %mul3A_276 = arith.muli %scan3A_47, %mul3A_275 : i32
          %add3A_277 = arith.constant 12 : i32
          %add3A_278 = arith.addi %mul3A_276, %add3A_277 : i32
          %get3A_279 = arith.index_cast %add3A_278 : i32 to index
          %get3A_280 = arith.index_cast %mul3A_95 : i32 to index
          %get3A_281 = tpu.vector_load %arg10[%get3A_279, %get3A_280] {strides = array<i32>} : memref<128x128xf32, #tpu.memory_space<vmem>>, vector<1x16xf32>,
          %get3A_282 = vector.shape_cast %get3A_281 : vector<1x16xf32> to vector<16xf32>
          %mul3A_283 = vector.broadcast %squeeze3A_77 : f32 to vector<16xf32>
          %mul3A_284 = arith.mulf %get3A_282, %mul3A_283 : vector<16xf32>
          %swap3A_285 = arith.index_cast %add3A_278 : i32 to index
          %swap3A_286 = arith.index_cast %mul3A_95 : i32 to index
          %swap3A_287 = tpu.vector_load %arg10[%swap3A_285, %swap3A_286] {strides = array<i32>} : memref<128x128xf32, #tpu.memory_space<vmem>>, vector<1x16xf32>,
          %swap3A_288 = vector.shape_cast %swap3A_287 : vector<1x16xf32> to vector<16xf32>
          %swap3A_289 = vector.shape_cast %mul3A_284 : vector<16xf32> to vector<1x16xf32>
          tpu.vector_store %arg10[%swap3A_285, %swap3A_286], %swap3A_289 {strides = array<i32>} : memref<128x128xf32, #tpu.memory_space<vmem>>, vector<1x16xf32>,
          %mul3A_290 = arith.constant 16 : i32
          %mul3A_291 = arith.muli %scan3A_47, %mul3A_290 : i32
          %add3A_292 = arith.constant 13 : i32
          %add3A_293 = arith.addi %mul3A_291, %add3A_292 : i32
          %get3A_294 = arith.index_cast %add3A_293 : i32 to index
          %get3A_295 = arith.index_cast %mul3A_95 : i32 to index
          %get3A_296 = tpu.vector_load %arg10[%get3A_294, %get3A_295] {strides = array<i32>} : memref<128x128xf32, #tpu.memory_space<vmem>>, vector<1x16xf32>,
          %get3A_297 = vector.shape_cast %get3A_296 : vector<1x16xf32> to vector<16xf32>
          %mul3A_298 = vector.broadcast %squeeze3A_79 : f32 to vector<16xf32>
          %mul3A_299 = arith.mulf %get3A_297, %mul3A_298 : vector<16xf32>
          %swap3A_300 = arith.index_cast %add3A_293 : i32 to index
          %swap3A_301 = arith.index_cast %mul3A_95 : i32 to index
          %swap3A_302 = tpu.vector_load %arg10[%swap3A_300, %swap3A_301] {strides = array<i32>} : memref<128x128xf32, #tpu.memory_space<vmem>>, vector<1x16xf32>,
          %swap3A_303 = vector.shape_cast %swap3A_302 : vector<1x16xf32> to vector<16xf32>
          %swap3A_304 = vector.shape_cast %mul3A_299 : vector<16xf32> to vector<1x16xf32>
          tpu.vector_store %arg10[%swap3A_300, %swap3A_301], %swap3A_304 {strides = array<i32>} : memref<128x128xf32, #tpu.memory_space<vmem>>, vector<1x16xf32>,
          %mul3A_305 = arith.constant 16 : i32
          %mul3A_306 = arith.muli %scan3A_47, %mul3A_305 : i32
          %add3A_307 = arith.constant 14 : i32
          %add3A_308 = arith.addi %mul3A_306, %add3A_307 : i32
          %get3A_309 = arith.index_cast %add3A_308 : i32 to index
          %get3A_310 = arith.index_cast %mul3A_95 : i32 to index
          %get3A_311 = tpu.vector_load %arg10[%get3A_309, %get3A_310] {strides = array<i32>} : memref<128x128xf32, #tpu.memory_space<vmem>>, vector<1x16xf32>,
          %get3A_312 = vector.shape_cast %get3A_311 : vector<1x16xf32> to vector<16xf32>
          %mul3A_313 = vector.broadcast %squeeze3A_81 : f32 to vector<16xf32>
          %mul3A_314 = arith.mulf %get3A_312, %mul3A_313 : vector<16xf32>
          %swap3A_315 = arith.index_cast %add3A_308 : i32 to index
          %swap3A_316 = arith.index_cast %mul3A_95 : i32 to index
          %swap3A_317 = tpu.vector_load %arg10[%swap3A_315, %swap3A_316] {strides = array<i32>} : memref<128x128xf32, #tpu.memory_space<vmem>>, vector<1x16xf32>,
          %swap3A_318 = vector.shape_cast %swap3A_317 : vector<1x16xf32> to vector<16xf32>
          %swap3A_319 = vector.shape_cast %mul3A_314 : vector<16xf32> to vector<1x16xf32>
          tpu.vector_store %arg10[%swap3A_315, %swap3A_316], %swap3A_319 {strides = array<i32>} : memref<128x128xf32, #tpu.memory_space<vmem>>, vector<1x16xf32>,
          %mul3A_320 = arith.constant 16 : i32
          %mul3A_321 = arith.muli %scan3A_47, %mul3A_320 : i32
          %add3A_322 = arith.constant 15 : i32
          %add3A_323 = arith.addi %mul3A_321, %add3A_322 : i32
          %get3A_324 = arith.index_cast %add3A_323 : i32 to index
          %get3A_325 = arith.index_cast %mul3A_95 : i32 to index
          %get3A_326 = tpu.vector_load %arg10[%get3A_324, %get3A_325] {strides = array<i32>} : memref<128x128xf32, #tpu.memory_space<vmem>>, vector<1x16xf32>,
          %get3A_327 = vector.shape_cast %get3A_326 : vector<1x16xf32> to vector<16xf32>
          %mul3A_328 = vector.broadcast %squeeze3A_83 : f32 to vector<16xf32>
          %mul3A_329 = arith.mulf %get3A_327, %mul3A_328 : vector<16xf32>
          %swap3A_330 = arith.index_cast %add3A_323 : i32 to index
          %swap3A_331 = arith.index_cast %mul3A_95 : i32 to index
          %swap3A_332 = tpu.vector_load %arg10[%swap3A_330, %swap3A_331] {strides = array<i32>} : memref<128x128xf32, #tpu.memory_space<vmem>>, vector<1x16xf32>,
          %swap3A_333 = vector.shape_cast %swap3A_332 : vector<1x16xf32> to vector<16xf32>
          %swap3A_334 = vector.shape_cast %mul3A_329 : vector<16xf32> to vector<1x16xf32>
          tpu.vector_store %arg10[%swap3A_330, %swap3A_331], %swap3A_334 {strides = array<i32>} : memref<128x128xf32, #tpu.memory_space<vmem>>, vector<1x16xf32>,
          %scan3A_335 = arith.constant 0 : i32
          scf.yield %scan3A_335 : i32
        }
        %scan3A_90 = arith.constant 8 : i32
        %scan3A_91 = arith.constant 0 : i32
        scf.yield %scan3A_91 : i32
      }
      %scan3A_45 = arith.constant 8 : i32
      "tpu.region"() ({
        %run_scoped3A = tpu.sem_alloc : memref<!tpu.dma_semaphore, #tpu.memory_space<semaphore_mem>>
        %dma_start3A_47 = arith.constant 0 : i32
        %dma_start3A_48 = tpu.memref_slice %arg8[%scan3A_27, %dma_start3A_47] : memref<80x128xi32, #tpu.memory_space<vmem>> -> memref<1x128xi32, #tpu.memory_space<vmem>>
        %dma_start3A_49 = tpu.memref_squeeze %dma_start3A_48 : memref<1x128xi32, #tpu.memory_space<vmem>> -> memref<128xi32, #tpu.memory_space<vmem>>
        %dma_start3A_50 = arith.constant 0 : i32
        %dma_start3A_51 = arith.constant 0 : i32
        %dma_start3A_52 = tpu.memref_slice %arg11[%dma_start3A_50, %dma_start3A_51] : memref<10240x128xf32, #tpu.memory_space<vmem_shared>> -> memref<10240x128xf32, #tpu.memory_space<vmem_shared>>
        tpu.enqueue_indirect_dma source(%arg10 : memref<128x128xf32, #tpu.memory_space<vmem>>) target(%dma_start3A_52 : memref<10240x128xf32, #tpu.memory_space<vmem_shared>>) offsets(%dma_start3A_49 : memref<128xi32, #tpu.memory_space<vmem>>) semaphore(%run_scoped3A : memref<!tpu.dma_semaphore, #tpu.memory_space<semaphore_mem>>) {add = true}
        %dma_wait3A_53 = arith.constant 0 : i32
        %dma_wait3A_54 = tpu.memref_slice %arg8[%scan3A_27, %dma_wait3A_53] : memref<80x128xi32, #tpu.memory_space<vmem>> -> memref<1x128xi32, #tpu.memory_space<vmem>>
        %dma_wait3A_55 = tpu.memref_squeeze %dma_wait3A_54 : memref<1x128xi32, #tpu.memory_space<vmem>> -> memref<128xi32, #tpu.memory_space<vmem>>
        %dma_wait3A_56 = arith.constant 0 : i32
        %dma_wait3A_57 = arith.constant 0 : i32
        %dma_wait3A_58 = tpu.memref_slice %arg11[%dma_wait3A_56, %dma_wait3A_57] : memref<10240x128xf32, #tpu.memory_space<vmem_shared>> -> memref<10240x128xf32, #tpu.memory_space<vmem_shared>>
        tpu.wait_indirect_dma semaphore(%run_scoped3A : memref<!tpu.dma_semaphore, #tpu.memory_space<semaphore_mem>>) src(%arg10 : memref<128x128xf32, #tpu.memory_space<vmem>>) dst(%dma_wait3A_58 : memref<10240x128xf32, #tpu.memory_space<vmem_shared>>)
        tpu.yield
      }) : () -> ()
      %scan3A_46 = arith.constant 0 : i32
      scf.yield %scan3A_46 : i32
    }
    %scan3A_23 = arith.constant 80 : i32
    %barrier3A_24 = arith.constant 0 : index
    tpu.barrier barrier_id(%barrier3A_24)
    %mul3A_25 = arith.constant 640 : i32
    %mul3A_26 = arith.muli %arg1, %mul3A_25 : i32
    "tpu.region"() ({
      %run_scoped3A = tpu.sem_alloc : memref<!tpu.dma_semaphore, #tpu.memory_space<semaphore_mem>>
      %dma_start3A = arith.constant 0 : i32
      %dma_start3A_27 = tpu.memref_slice %arg6[%arg0, %mul3A_26, %dma_start3A] : memref<2x10240x128xf32, #tpu.memory_space<hbm>> -> memref<1x640x128xf32, #tpu.memory_space<hbm>>
      %dma_start3A_28 = tpu.memref_squeeze %dma_start3A_27 : memref<1x640x128xf32, #tpu.memory_space<hbm>> -> memref<640x128xf32, #tpu.memory_space<hbm>>
      %dma_start3A_29 = arith.constant 0 : i32
      %dma_start3A_30 = tpu.memref_slice %arg11[%mul3A_26, %dma_start3A_29] : memref<10240x128xf32, #tpu.memory_space<vmem_shared>> -> memref<640x128xf32, #tpu.memory_space<vmem_shared>>
      tpu.enqueue_dma source(%dma_start3A_30 : memref<640x128xf32, #tpu.memory_space<vmem_shared>>) target(%dma_start3A_28 : memref<640x128xf32, #tpu.memory_space<hbm>>) target_semaphore(%run_scoped3A : memref<!tpu.dma_semaphore, #tpu.memory_space<semaphore_mem>>)
      %dma_wait3A = arith.constant 0 : i32
      %dma_wait3A_31 = tpu.memref_slice %arg6[%arg0, %mul3A_26, %dma_wait3A] : memref<2x10240x128xf32, #tpu.memory_space<hbm>> -> memref<1x640x128xf32, #tpu.memory_space<hbm>>
      %dma_wait3A_32 = tpu.memref_squeeze %dma_wait3A_31 : memref<1x640x128xf32, #tpu.memory_space<hbm>> -> memref<640x128xf32, #tpu.memory_space<hbm>>
      %dma_wait3A_33 = arith.constant 0 : i32
      %dma_wait3A_34 = tpu.memref_slice %arg11[%mul3A_26, %dma_wait3A_33] : memref<10240x128xf32, #tpu.memory_space<vmem_shared>> -> memref<640x128xf32, #tpu.memory_space<vmem_shared>>
      tpu.wait_dma2 semaphore(%run_scoped3A : memref<!tpu.dma_semaphore, #tpu.memory_space<semaphore_mem>>) src(%dma_wait3A_34 : memref<640x128xf32, #tpu.memory_space<vmem_shared>>) dst(%dma_wait3A_32 : memref<640x128xf32, #tpu.memory_space<hbm>>)
      tpu.yield
    }) : () -> ()
    return
  }
}

#map = affine_map<(d0, d1) -> (0, 0)>
#map1 = affine_map<(d0, d1) -> (0, 0, 0, 0)>
#map2 = affine_map<(d0, d1) -> (0, 0, 0)>
module attributes {stable_mosaic.version = 14 : i64} {
  func.func @spmm(%arg0: i32, %arg1: i32, %arg2: memref<10240x128xf32, #tpu.memory_space<hbm>>, %arg3: memref<2x16x80x128xi32, #tpu.memory_space<hbm>>, %arg4: memref<2x16x80x128xi32, #tpu.memory_space<hbm>>, %arg5: memref<2x16x80x128xf32, #tpu.memory_space<hbm>>, %arg6: memref<2x10240x128xf32, #tpu.memory_space<hbm>>, %arg7: memref<80x128xi32, #tpu.memory_space<vmem>>, %arg8: memref<80x128xi32, #tpu.memory_space<vmem>>, %arg9: memref<80x128xf32, #tpu.memory_space<vmem>>, %arg10: memref<128x128xf32, #tpu.memory_space<vmem>>, %arg11: memref<10240x128xf32, #tpu.memory_space<vmem_shared>>, %arg12: memref<!tpu.dma_semaphore, #tpu.memory_space<semaphore_mem>>) attributes {dimension_semantics = [#tpu.dimension_semantics<core_parallel>, #tpu.dimension_semantics<subcore_parallel>], iteration_bounds = array<i64: 2, 16>, scalar_prefetch = 0 : i64, scratch_operands = 6 : i64, tpu.core_type = #tpu.core_type<sc_vector_subcore>, window_params = [{transform_indices = #map}, {transform_indices = #map1}, {transform_indices = #map1}, {transform_indices = #map1}, {transform_indices = #map2}]} {
    %broadcast_in_dim3A = arith.constant 0.000000e+00 : f32
    %broadcast_in_dim3A_0 = vector.broadcast %broadcast_in_dim3A : f32 to vector<16xf32>
    %scan3A = arith.constant 0 : i32
    %scan3A_1 = arith.constant 0 : i32
    %scan3A_2 = arith.constant 1024 : i32
    %scan3A_3 = arith.addi %scan3A_1, %scan3A_2 : i32
    %scan3A_4 = arith.constant 1 : i32
    %scan3A_5 = scf.for %scan3A_27 = %scan3A_1 to %scan3A_3 step %scan3A_4 iter_args(%scan3A_28 = %scan3A) -> (i32)  : i32 {
      %jit3A = arith.constant 8 : i32
      %div3A = arith.divsi %scan3A_27, %jit3A : i32
      %sign3A = arith.constant 0 : i32
      %sign3A_29 = arith.cmpi sgt, %scan3A_27, %sign3A : i32
      %sign3A_30 = arith.extui %sign3A_29 : i1 to i32
      %sign3A_31 = arith.constant 0 : i32
      %sign3A_32 = arith.cmpi slt, %scan3A_27, %sign3A_31 : i32
      %sign3A_33 = arith.extui %sign3A_32 : i1 to i32
      %sign3A_34 = arith.subi %sign3A_30, %sign3A_33 : i32
      %sign3A_35 = arith.constant 0 : i32
      %sign3A_36 = arith.cmpi sgt, %jit3A, %sign3A_35 : i32
      %sign3A_37 = arith.extui %sign3A_36 : i1 to i32
      %sign3A_38 = arith.constant 0 : i32
      %sign3A_39 = arith.cmpi slt, %jit3A, %sign3A_38 : i32
      %sign3A_40 = arith.extui %sign3A_39 : i1 to i32
      %sign3A_41 = arith.subi %sign3A_37, %sign3A_40 : i32
      %ne3A = arith.cmpi ne, %sign3A_34, %sign3A_41 : i32
      %rem3A = arith.remsi %scan3A_27, %jit3A : i32
      %ne3A_42 = arith.constant 0 : i32
      %ne3A_43 = arith.cmpi ne, %rem3A, %ne3A_42 : i32
      %and3A = arith.andi %ne3A, %ne3A_43 : i1
      %sub3A = arith.constant 1 : i32
      %sub3A_44 = arith.subi %div3A, %sub3A : i32
      %select_n3A = arith.select %and3A, %sub3A_44, %div3A : i32
      %jit3A_45 = arith.constant 8 : i32
      %eq3A = arith.constant 0 : i32
      %eq3A_46 = arith.cmpi eq, %jit3A_45, %eq3A : i32
      %jit3A_47 = arith.constant 1 : i32
      %select_n3A_48 = arith.select %eq3A_46, %jit3A_47, %jit3A_45 : i32
      %rem3A_49 = arith.remsi %scan3A_27, %select_n3A_48 : i32
      %ne3A_50 = arith.constant 0 : i32
      %ne3A_51 = arith.cmpi ne, %rem3A_49, %ne3A_50 : i32
      %lt3A = arith.constant 0 : i32
      %lt3A_52 = arith.cmpi slt, %rem3A_49, %lt3A : i32
      %lt3A_53 = arith.constant 0 : i32
      %lt3A_54 = arith.cmpi slt, %select_n3A_48, %lt3A_53 : i32
      %ne3A_55 = arith.xori %lt3A_52, %lt3A_54 : i1
      %and3A_56 = arith.andi %ne3A_55, %ne3A_51 : i1
      %add3A_57 = arith.addi %rem3A_49, %select_n3A_48 : i32
      %select_n3A_58 = arith.select %and3A_56, %add3A_57, %rem3A_49 : i32
      %mul3A_59 = arith.constant 16 : i32
      %mul3A_60 = arith.muli %select_n3A_58, %mul3A_59 : i32
      %swap3A = arith.index_cast %select_n3A : i32 to index
      %swap3A_61 = arith.index_cast %mul3A_60 : i32 to index
      %swap3A_62 = tpu.vector_load %arg10[%swap3A, %swap3A_61] {strides = array<i32>} : memref<128x128xf32, #tpu.memory_space<vmem>>, vector<1x16xf32>,
      %swap3A_63 = vector.shape_cast %swap3A_62 : vector<1x16xf32> to vector<16xf32>
      %swap3A_64 = vector.shape_cast %broadcast_in_dim3A_0 : vector<16xf32> to vector<1x16xf32>
      tpu.vector_store %arg10[%swap3A, %swap3A_61], %swap3A_64 {strides = array<i32>} : memref<128x128xf32, #tpu.memory_space<vmem>>, vector<1x16xf32>,
      %scan3A_65 = arith.constant 0 : i32
      scf.yield %scan3A_65 : i32
    }
    %scan3A_6 = arith.constant 1024 : i32
    %mul3A = arith.constant 640 : i32
    %mul3A_7 = arith.muli %arg1, %mul3A : i32
    %add3A = arith.constant 0 : i32
    %add3A_8 = arith.addi %mul3A_7, %add3A : i32
    "tpu.region"() ({
      %run_scoped3A = tpu.sem_alloc : memref<!tpu.dma_semaphore, #tpu.memory_space<semaphore_mem>>
      %dma_start3A = arith.constant 0 : i32
      %dma_start3A_27 = tpu.memref_slice %arg11[%add3A_8, %dma_start3A] : memref<10240x128xf32, #tpu.memory_space<vmem_shared>> -> memref<128x128xf32, #tpu.memory_space<vmem_shared>>
      %dma_start3A_28 = arith.constant 0 : i32
      %dma_start3A_29 = tpu.memref_slice %arg11[%add3A_8, %dma_start3A_28] : memref<10240x128xf32, #tpu.memory_space<vmem_shared>> -> memref<128x128xf32, #tpu.memory_space<vmem_shared>>
      tpu.enqueue_dma source(%arg10 : memref<128x128xf32, #tpu.memory_space<vmem>>) target(%dma_start3A_29 : memref<128x128xf32, #tpu.memory_space<vmem_shared>>) target_semaphore(%run_scoped3A : memref<!tpu.dma_semaphore, #tpu.memory_space<semaphore_mem>>)
      %dma_wait3A = arith.constant 0 : i32
      %dma_wait3A_30 = tpu.memref_slice %arg11[%add3A_8, %dma_wait3A] : memref<10240x128xf32, #tpu.memory_space<vmem_shared>> -> memref<128x128xf32, #tpu.memory_space<vmem_shared>>
      %dma_wait3A_31 = arith.constant 0 : i32
      %dma_wait3A_32 = tpu.memref_slice %arg11[%add3A_8, %dma_wait3A_31] : memref<10240x128xf32, #tpu.memory_space<vmem_shared>> -> memref<128x128xf32, #tpu.memory_space<vmem_shared>>
      tpu.wait_dma2 semaphore(%run_scoped3A : memref<!tpu.dma_semaphore, #tpu.memory_space<semaphore_mem>>) src(%arg10 : memref<128x128xf32, #tpu.memory_space<vmem>>) dst(%dma_wait3A_32 : memref<128x128xf32, #tpu.memory_space<vmem_shared>>)
      tpu.yield
    }) : () -> ()
    %add3A_9 = arith.constant 128 : i32
    %add3A_10 = arith.addi %mul3A_7, %add3A_9 : i32
    "tpu.region"() ({
      %run_scoped3A = tpu.sem_alloc : memref<!tpu.dma_semaphore, #tpu.memory_space<semaphore_mem>>
      %dma_start3A = arith.constant 0 : i32
      %dma_start3A_27 = tpu.memref_slice %arg11[%add3A_10, %dma_start3A] : memref<10240x128xf32, #tpu.memory_space<vmem_shared>> -> memref<128x128xf32, #tpu.memory_space<vmem_shared>>
      %dma_start3A_28 = arith.constant 0 : i32
      %dma_start3A_29 = tpu.memref_slice %arg11[%add3A_10, %dma_start3A_28] : memref<10240x128xf32, #tpu.memory_space<vmem_shared>> -> memref<128x128xf32, #tpu.memory_space<vmem_shared>>
      tpu.enqueue_dma source(%arg10 : memref<128x128xf32, #tpu.memory_space<vmem>>) target(%dma_start3A_29 : memref<128x128xf32, #tpu.memory_space<vmem_shared>>) target_semaphore(%run_scoped3A : memref<!tpu.dma_semaphore, #tpu.memory_space<semaphore_mem>>)
      %dma_wait3A = arith.constant 0 : i32
      %dma_wait3A_30 = tpu.memref_slice %arg11[%add3A_10, %dma_wait3A] : memref<10240x128xf32, #tpu.memory_space<vmem_shared>> -> memref<128x128xf32, #tpu.memory_space<vmem_shared>>
      %dma_wait3A_31 = arith.constant 0 : i32
      %dma_wait3A_32 = tpu.memref_slice %arg11[%add3A_10, %dma_wait3A_31] : memref<10240x128xf32, #tpu.memory_space<vmem_shared>> -> memref<128x128xf32, #tpu.memory_space<vmem_shared>>
      tpu.wait_dma2 semaphore(%run_scoped3A : memref<!tpu.dma_semaphore, #tpu.memory_space<semaphore_mem>>) src(%arg10 : memref<128x128xf32, #tpu.memory_space<vmem>>) dst(%dma_wait3A_32 : memref<128x128xf32, #tpu.memory_space<vmem_shared>>)
      tpu.yield
    }) : () -> ()
    %add3A_11 = arith.constant 256 : i32
    %add3A_12 = arith.addi %mul3A_7, %add3A_11 : i32
    "tpu.region"() ({
      %run_scoped3A = tpu.sem_alloc : memref<!tpu.dma_semaphore, #tpu.memory_space<semaphore_mem>>
      %dma_start3A = arith.constant 0 : i32
      %dma_start3A_27 = tpu.memref_slice %arg11[%add3A_12, %dma_start3A] : memref<10240x128xf32, #tpu.memory_space<vmem_shared>> -> memref<128x128xf32, #tpu.memory_space<vmem_shared>>
      %dma_start3A_28 = arith.constant 0 : i32
      %dma_start3A_29 = tpu.memref_slice %arg11[%add3A_12, %dma_start3A_28] : memref<10240x128xf32, #tpu.memory_space<vmem_shared>> -> memref<128x128xf32, #tpu.memory_space<vmem_shared>>
      tpu.enqueue_dma source(%arg10 : memref<128x128xf32, #tpu.memory_space<vmem>>) target(%dma_start3A_29 : memref<128x128xf32, #tpu.memory_space<vmem_shared>>) target_semaphore(%run_scoped3A : memref<!tpu.dma_semaphore, #tpu.memory_space<semaphore_mem>>)
      %dma_wait3A = arith.constant 0 : i32
      %dma_wait3A_30 = tpu.memref_slice %arg11[%add3A_12, %dma_wait3A] : memref<10240x128xf32, #tpu.memory_space<vmem_shared>> -> memref<128x128xf32, #tpu.memory_space<vmem_shared>>
      %dma_wait3A_31 = arith.constant 0 : i32
      %dma_wait3A_32 = tpu.memref_slice %arg11[%add3A_12, %dma_wait3A_31] : memref<10240x128xf32, #tpu.memory_space<vmem_shared>> -> memref<128x128xf32, #tpu.memory_space<vmem_shared>>
      tpu.wait_dma2 semaphore(%run_scoped3A : memref<!tpu.dma_semaphore, #tpu.memory_space<semaphore_mem>>) src(%arg10 : memref<128x128xf32, #tpu.memory_space<vmem>>) dst(%dma_wait3A_32 : memref<128x128xf32, #tpu.memory_space<vmem_shared>>)
      tpu.yield
    }) : () -> ()
    %add3A_13 = arith.constant 384 : i32
    %add3A_14 = arith.addi %mul3A_7, %add3A_13 : i32
    "tpu.region"() ({
      %run_scoped3A = tpu.sem_alloc : memref<!tpu.dma_semaphore, #tpu.memory_space<semaphore_mem>>
      %dma_start3A = arith.constant 0 : i32
      %dma_start3A_27 = tpu.memref_slice %arg11[%add3A_14, %dma_start3A] : memref<10240x128xf32, #tpu.memory_space<vmem_shared>> -> memref<128x128xf32, #tpu.memory_space<vmem_shared>>
      %dma_start3A_28 = arith.constant 0 : i32
      %dma_start3A_29 = tpu.memref_slice %arg11[%add3A_14, %dma_start3A_28] : memref<10240x128xf32, #tpu.memory_space<vmem_shared>> -> memref<128x128xf32, #tpu.memory_space<vmem_shared>>
      tpu.enqueue_dma source(%arg10 : memref<128x128xf32, #tpu.memory_space<vmem>>) target(%dma_start3A_29 : memref<128x128xf32, #tpu.memory_space<vmem_shared>>) target_semaphore(%run_scoped3A : memref<!tpu.dma_semaphore, #tpu.memory_space<semaphore_mem>>)
      %dma_wait3A = arith.constant 0 : i32
      %dma_wait3A_30 = tpu.memref_slice %arg11[%add3A_14, %dma_wait3A] : memref<10240x128xf32, #tpu.memory_space<vmem_shared>> -> memref<128x128xf32, #tpu.memory_space<vmem_shared>>
      %dma_wait3A_31 = arith.constant 0 : i32
      %dma_wait3A_32 = tpu.memref_slice %arg11[%add3A_14, %dma_wait3A_31] : memref<10240x128xf32, #tpu.memory_space<vmem_shared>> -> memref<128x128xf32, #tpu.memory_space<vmem_shared>>
      tpu.wait_dma2 semaphore(%run_scoped3A : memref<!tpu.dma_semaphore, #tpu.memory_space<semaphore_mem>>) src(%arg10 : memref<128x128xf32, #tpu.memory_space<vmem>>) dst(%dma_wait3A_32 : memref<128x128xf32, #tpu.memory_space<vmem_shared>>)
      tpu.yield
    }) : () -> ()
    %add3A_15 = arith.constant 512 : i32
    %add3A_16 = arith.addi %mul3A_7, %add3A_15 : i32
    "tpu.region"() ({
      %run_scoped3A = tpu.sem_alloc : memref<!tpu.dma_semaphore, #tpu.memory_space<semaphore_mem>>
      %dma_start3A = arith.constant 0 : i32
      %dma_start3A_27 = tpu.memref_slice %arg11[%add3A_16, %dma_start3A] : memref<10240x128xf32, #tpu.memory_space<vmem_shared>> -> memref<128x128xf32, #tpu.memory_space<vmem_shared>>
      %dma_start3A_28 = arith.constant 0 : i32
      %dma_start3A_29 = tpu.memref_slice %arg11[%add3A_16, %dma_start3A_28] : memref<10240x128xf32, #tpu.memory_space<vmem_shared>> -> memref<128x128xf32, #tpu.memory_space<vmem_shared>>
      tpu.enqueue_dma source(%arg10 : memref<128x128xf32, #tpu.memory_space<vmem>>) target(%dma_start3A_29 : memref<128x128xf32, #tpu.memory_space<vmem_shared>>) target_semaphore(%run_scoped3A : memref<!tpu.dma_semaphore, #tpu.memory_space<semaphore_mem>>)
      %dma_wait3A = arith.constant 0 : i32
      %dma_wait3A_30 = tpu.memref_slice %arg11[%add3A_16, %dma_wait3A] : memref<10240x128xf32, #tpu.memory_space<vmem_shared>> -> memref<128x128xf32, #tpu.memory_space<vmem_shared>>
      %dma_wait3A_31 = arith.constant 0 : i32
      %dma_wait3A_32 = tpu.memref_slice %arg11[%add3A_16, %dma_wait3A_31] : memref<10240x128xf32, #tpu.memory_space<vmem_shared>> -> memref<128x128xf32, #tpu.memory_space<vmem_shared>>
      tpu.wait_dma2 semaphore(%run_scoped3A : memref<!tpu.dma_semaphore, #tpu.memory_space<semaphore_mem>>) src(%arg10 : memref<128x128xf32, #tpu.memory_space<vmem>>) dst(%dma_wait3A_32 : memref<128x128xf32, #tpu.memory_space<vmem_shared>>)
      tpu.yield
    }) : () -> ()
    "tpu.region"() ({
      %run_scoped3A = tpu.sem_alloc : memref<!tpu.dma_semaphore, #tpu.memory_space<semaphore_mem>>
      %dma_start3A = arith.constant 0 : i32
      %dma_start3A_27 = arith.constant 0 : i32
      %dma_start3A_28 = tpu.memref_slice %arg3[%arg0, %arg1, %dma_start3A, %dma_start3A_27] : memref<2x16x80x128xi32, #tpu.memory_space<hbm>> -> memref<1x1x80x128xi32, #tpu.memory_space<hbm>>
      %dma_start3A_29 = tpu.memref_squeeze %dma_start3A_28 : memref<1x1x80x128xi32, #tpu.memory_space<hbm>> -> memref<80x128xi32, #tpu.memory_space<hbm>>
      %dma_start3A_30 = arith.constant 0 : i32
      %dma_start3A_31 = arith.constant 0 : i32
      %dma_start3A_32 = tpu.memref_slice %arg3[%arg0, %arg1, %dma_start3A_30, %dma_start3A_31] : memref<2x16x80x128xi32, #tpu.memory_space<hbm>> -> memref<1x1x80x128xi32, #tpu.memory_space<hbm>>
      %dma_start3A_33 = tpu.memref_squeeze %dma_start3A_32 : memref<1x1x80x128xi32, #tpu.memory_space<hbm>> -> memref<80x128xi32, #tpu.memory_space<hbm>>
      tpu.enqueue_dma source(%dma_start3A_33 : memref<80x128xi32, #tpu.memory_space<hbm>>) target(%arg7 : memref<80x128xi32, #tpu.memory_space<vmem>>) target_semaphore(%run_scoped3A : memref<!tpu.dma_semaphore, #tpu.memory_space<semaphore_mem>>)
      %dma_wait3A = arith.constant 0 : i32
      %dma_wait3A_34 = arith.constant 0 : i32
      %dma_wait3A_35 = tpu.memref_slice %arg3[%arg0, %arg1, %dma_wait3A, %dma_wait3A_34] : memref<2x16x80x128xi32, #tpu.memory_space<hbm>> -> memref<1x1x80x128xi32, #tpu.memory_space<hbm>>
      %dma_wait3A_36 = tpu.memref_squeeze %dma_wait3A_35 : memref<1x1x80x128xi32, #tpu.memory_space<hbm>> -> memref<80x128xi32, #tpu.memory_space<hbm>>
      %dma_wait3A_37 = arith.constant 0 : i32
      %dma_wait3A_38 = arith.constant 0 : i32
      %dma_wait3A_39 = tpu.memref_slice %arg3[%arg0, %arg1, %dma_wait3A_37, %dma_wait3A_38] : memref<2x16x80x128xi32, #tpu.memory_space<hbm>> -> memref<1x1x80x128xi32, #tpu.memory_space<hbm>>
      %dma_wait3A_40 = tpu.memref_squeeze %dma_wait3A_39 : memref<1x1x80x128xi32, #tpu.memory_space<hbm>> -> memref<80x128xi32, #tpu.memory_space<hbm>>
      tpu.wait_dma2 semaphore(%run_scoped3A : memref<!tpu.dma_semaphore, #tpu.memory_space<semaphore_mem>>) src(%dma_wait3A_40 : memref<80x128xi32, #tpu.memory_space<hbm>>) dst(%arg7 : memref<80x128xi32, #tpu.memory_space<vmem>>)
      tpu.yield
    }) : () -> ()
    "tpu.region"() ({
      %run_scoped3A = tpu.sem_alloc : memref<!tpu.dma_semaphore, #tpu.memory_space<semaphore_mem>>
      %dma_start3A = arith.constant 0 : i32
      %dma_start3A_27 = arith.constant 0 : i32
      %dma_start3A_28 = tpu.memref_slice %arg4[%arg0, %arg1, %dma_start3A, %dma_start3A_27] : memref<2x16x80x128xi32, #tpu.memory_space<hbm>> -> memref<1x1x80x128xi32, #tpu.memory_space<hbm>>
      %dma_start3A_29 = tpu.memref_squeeze %dma_start3A_28 : memref<1x1x80x128xi32, #tpu.memory_space<hbm>> -> memref<80x128xi32, #tpu.memory_space<hbm>>
      %dma_start3A_30 = arith.constant 0 : i32
      %dma_start3A_31 = arith.constant 0 : i32
      %dma_start3A_32 = tpu.memref_slice %arg4[%arg0, %arg1, %dma_start3A_30, %dma_start3A_31] : memref<2x16x80x128xi32, #tpu.memory_space<hbm>> -> memref<1x1x80x128xi32, #tpu.memory_space<hbm>>
      %dma_start3A_33 = tpu.memref_squeeze %dma_start3A_32 : memref<1x1x80x128xi32, #tpu.memory_space<hbm>> -> memref<80x128xi32, #tpu.memory_space<hbm>>
      tpu.enqueue_dma source(%dma_start3A_33 : memref<80x128xi32, #tpu.memory_space<hbm>>) target(%arg8 : memref<80x128xi32, #tpu.memory_space<vmem>>) target_semaphore(%run_scoped3A : memref<!tpu.dma_semaphore, #tpu.memory_space<semaphore_mem>>)
      %dma_wait3A = arith.constant 0 : i32
      %dma_wait3A_34 = arith.constant 0 : i32
      %dma_wait3A_35 = tpu.memref_slice %arg4[%arg0, %arg1, %dma_wait3A, %dma_wait3A_34] : memref<2x16x80x128xi32, #tpu.memory_space<hbm>> -> memref<1x1x80x128xi32, #tpu.memory_space<hbm>>
      %dma_wait3A_36 = tpu.memref_squeeze %dma_wait3A_35 : memref<1x1x80x128xi32, #tpu.memory_space<hbm>> -> memref<80x128xi32, #tpu.memory_space<hbm>>
      %dma_wait3A_37 = arith.constant 0 : i32
      %dma_wait3A_38 = arith.constant 0 : i32
      %dma_wait3A_39 = tpu.memref_slice %arg4[%arg0, %arg1, %dma_wait3A_37, %dma_wait3A_38] : memref<2x16x80x128xi32, #tpu.memory_space<hbm>> -> memref<1x1x80x128xi32, #tpu.memory_space<hbm>>
      %dma_wait3A_40 = tpu.memref_squeeze %dma_wait3A_39 : memref<1x1x80x128xi32, #tpu.memory_space<hbm>> -> memref<80x128xi32, #tpu.memory_space<hbm>>
      tpu.wait_dma2 semaphore(%run_scoped3A : memref<!tpu.dma_semaphore, #tpu.memory_space<semaphore_mem>>) src(%dma_wait3A_40 : memref<80x128xi32, #tpu.memory_space<hbm>>) dst(%arg8 : memref<80x128xi32, #tpu.memory_space<vmem>>)
      tpu.yield
    }) : () -> ()
    "tpu.region"() ({
      %run_scoped3A = tpu.sem_alloc : memref<!tpu.dma_semaphore, #tpu.memory_space<semaphore_mem>>
      %dma_start3A = arith.constant 0 : i32
      %dma_start3A_27 = arith.constant 0 : i32
      %dma_start3A_28 = tpu.memref_slice %arg5[%arg0, %arg1, %dma_start3A, %dma_start3A_27] : memref<2x16x80x128xf32, #tpu.memory_space<hbm>> -> memref<1x1x80x128xf32, #tpu.memory_space<hbm>>
      %dma_start3A_29 = tpu.memref_squeeze %dma_start3A_28 : memref<1x1x80x128xf32, #tpu.memory_space<hbm>> -> memref<80x128xf32, #tpu.memory_space<hbm>>
      %dma_start3A_30 = arith.constant 0 : i32
      %dma_start3A_31 = arith.constant 0 : i32
      %dma_start3A_32 = tpu.memref_slice %arg5[%arg0, %arg1, %dma_start3A_30, %dma_start3A_31] : memref<2x16x80x128xf32, #tpu.memory_space<hbm>> -> memref<1x1x80x128xf32, #tpu.memory_space<hbm>>
      %dma_start3A_33 = tpu.memref_squeeze %dma_start3A_32 : memref<1x1x80x128xf32, #tpu.memory_space<hbm>> -> memref<80x128xf32, #tpu.memory_space<hbm>>
      tpu.enqueue_dma source(%dma_start3A_33 : memref<80x128xf32, #tpu.memory_space<hbm>>) target(%arg9 : memref<80x128xf32, #tpu.memory_space<vmem>>) target_semaphore(%run_scoped3A : memref<!tpu.dma_semaphore, #tpu.memory_space<semaphore_mem>>)
      %dma_wait3A = arith.constant 0 : i32
      %dma_wait3A_34 = arith.constant 0 : i32
      %dma_wait3A_35 = tpu.memref_slice %arg5[%arg0, %arg1, %dma_wait3A, %dma_wait3A_34] : memref<2x16x80x128xf32, #tpu.memory_space<hbm>> -> memref<1x1x80x128xf32, #tpu.memory_space<hbm>>
      %dma_wait3A_36 = tpu.memref_squeeze %dma_wait3A_35 : memref<1x1x80x128xf32, #tpu.memory_space<hbm>> -> memref<80x128xf32, #tpu.memory_space<hbm>>
      %dma_wait3A_37 = arith.constant 0 : i32
      %dma_wait3A_38 = arith.constant 0 : i32
      %dma_wait3A_39 = tpu.memref_slice %arg5[%arg0, %arg1, %dma_wait3A_37, %dma_wait3A_38] : memref<2x16x80x128xf32, #tpu.memory_space<hbm>> -> memref<1x1x80x128xf32, #tpu.memory_space<hbm>>
      %dma_wait3A_40 = tpu.memref_squeeze %dma_wait3A_39 : memref<1x1x80x128xf32, #tpu.memory_space<hbm>> -> memref<80x128xf32, #tpu.memory_space<hbm>>
      tpu.wait_dma2 semaphore(%run_scoped3A : memref<!tpu.dma_semaphore, #tpu.memory_space<semaphore_mem>>) src(%dma_wait3A_40 : memref<80x128xf32, #tpu.memory_space<hbm>>) dst(%arg9 : memref<80x128xf32, #tpu.memory_space<vmem>>)
      tpu.yield
    }) : () -> ()
    %barrier3A = arith.constant 0 : index
    tpu.barrier barrier_id(%barrier3A)
    %scan3A_17 = arith.constant 0 : i32
    %scan3A_18 = arith.constant 0 : i32
    %scan3A_19 = arith.constant 80 : i32
    %scan3A_20 = arith.addi %scan3A_18, %scan3A_19 : i32
    %scan3A_21 = arith.constant 1 : i32
    %scan3A_22 = scf.for %scan3A_27 = %scan3A_18 to %scan3A_20 step %scan3A_21 iter_args(%scan3A_28 = %scan3A_17) -> (i32)  : i32 {
      %dma_start3A = arith.constant 0 : i32
      %dma_start3A_29 = tpu.memref_slice %arg7[%scan3A_27, %dma_start3A] : memref<80x128xi32, #tpu.memory_space<vmem>> -> memref<1x128xi32, #tpu.memory_space<vmem>>
      %dma_start3A_30 = tpu.memref_squeeze %dma_start3A_29 : memref<1x128xi32, #tpu.memory_space<vmem>> -> memref<128xi32, #tpu.memory_space<vmem>>
      %dma_start3A_31 = arith.constant 0 : i32
      %dma_start3A_32 = arith.constant 0 : i32
      %dma_start3A_33 = tpu.memref_slice %arg2[%dma_start3A_31, %dma_start3A_32] : memref<10240x128xf32, #tpu.memory_space<hbm>> -> memref<10240x128xf32, #tpu.memory_space<hbm>>
      tpu.enqueue_indirect_dma source(%dma_start3A_33 : memref<10240x128xf32, #tpu.memory_space<hbm>>) target(%arg10 : memref<128x128xf32, #tpu.memory_space<vmem>>) offsets(%dma_start3A_30 : memref<128xi32, #tpu.memory_space<vmem>>) semaphore(%arg12 : memref<!tpu.dma_semaphore, #tpu.memory_space<semaphore_mem>>)
      %dma_wait3A = arith.constant 0 : i32
      %dma_wait3A_34 = tpu.memref_slice %arg7[%scan3A_27, %dma_wait3A] : memref<80x128xi32, #tpu.memory_space<vmem>> -> memref<1x128xi32, #tpu.memory_space<vmem>>
      %dma_wait3A_35 = tpu.memref_squeeze %dma_wait3A_34 : memref<1x128xi32, #tpu.memory_space<vmem>> -> memref<128xi32, #tpu.memory_space<vmem>>
      %dma_wait3A_36 = arith.constant 0 : i32
      %dma_wait3A_37 = arith.constant 0 : i32
      %dma_wait3A_38 = tpu.memref_slice %arg2[%dma_wait3A_36, %dma_wait3A_37] : memref<10240x128xf32, #tpu.memory_space<hbm>> -> memref<10240x128xf32, #tpu.memory_space<hbm>>
      tpu.wait_indirect_dma semaphore(%arg12 : memref<!tpu.dma_semaphore, #tpu.memory_space<semaphore_mem>>) src(%dma_wait3A_38 : memref<10240x128xf32, #tpu.memory_space<hbm>>) dst(%arg10 : memref<128x128xf32, #tpu.memory_space<vmem>>)
      %scan3A_39 = arith.constant 0 : i32
      %scan3A_40 = arith.constant 0 : i32
      %scan3A_41 = arith.constant 8 : i32
      %scan3A_42 = arith.addi %scan3A_40, %scan3A_41 : i32
      %scan3A_43 = arith.constant 1 : i32
      %scan3A_44 = scf.for %scan3A_47 = %scan3A_40 to %scan3A_42 step %scan3A_43 iter_args(%scan3A_48 = %scan3A_39) -> (i32)  : i32 {
        %mul3A_49 = arith.constant 16 : i32
        %mul3A_50 = arith.muli %scan3A_47, %mul3A_49 : i32
        %get3A = arith.index_cast %scan3A_27 : i32 to index
        %get3A_51 = arith.index_cast %mul3A_50 : i32 to index
        %get3A_52 = tpu.vector_load %arg9[%get3A, %get3A_51] {strides = array<i32>} : memref<80x128xf32, #tpu.memory_space<vmem>>, vector<1x16xf32>,
        %get3A_53 = vector.shape_cast %get3A_52 : vector<1x16xf32> to vector<16xf32>
        %slice3A = vector.extract_strided_slice %get3A_53 {offsets = [0], sizes = [1], strides = [1]} : vector<16xf32> to vector<1xf32>
        %squeeze3A = vector.extract %slice3A[0] : f32 from vector<1xf32>
        %slice3A_54 = vector.extract_strided_slice %get3A_53 {offsets = [1], sizes = [1], strides = [1]} : vector<16xf32> to vector<1xf32>
        %squeeze3A_55 = vector.extract %slice3A_54[0] : f32 from vector<1xf32>
        %slice3A_56 = vector.extract_strided_slice %get3A_53 {offsets = [2], sizes = [1], strides = [1]} : vector<16xf32> to vector<1xf32>
        %squeeze3A_57 = vector.extract %slice3A_56[0] : f32 from vector<1xf32>
        %slice3A_58 = vector.extract_strided_slice %get3A_53 {offsets = [3], sizes = [1], strides = [1]} : vector<16xf32> to vector<1xf32>
        %squeeze3A_59 = vector.extract %slice3A_58[0] : f32 from vector<1xf32>
        %slice3A_60 = vector.extract_strided_slice %get3A_53 {offsets = [4], sizes = [1], strides = [1]} : vector<16xf32> to vector<1xf32>
        %squeeze3A_61 = vector.extract %slice3A_60[0] : f32 from vector<1xf32>
        %slice3A_62 = vector.extract_strided_slice %get3A_53 {offsets = [5], sizes = [1], strides = [1]} : vector<16xf32> to vector<1xf32>
        %squeeze3A_63 = vector.extract %slice3A_62[0] : f32 from vector<1xf32>
        %slice3A_64 = vector.extract_strided_slice %get3A_53 {offsets = [6], sizes = [1], strides = [1]} : vector<16xf32> to vector<1xf32>
        %squeeze3A_65 = vector.extract %slice3A_64[0] : f32 from vector<1xf32>
        %slice3A_66 = vector.extract_strided_slice %get3A_53 {offsets = [7], sizes = [1], strides = [1]} : vector<16xf32> to vector<1xf32>
        %squeeze3A_67 = vector.extract %slice3A_66[0] : f32 from vector<1xf32>
        %slice3A_68 = vector.extract_strided_slice %get3A_53 {offsets = [8], sizes = [1], strides = [1]} : vector<16xf32> to vector<1xf32>
        %squeeze3A_69 = vector.extract %slice3A_68[0] : f32 from vector<1xf32>
        %slice3A_70 = vector.extract_strided_slice %get3A_53 {offsets = [9], sizes = [1], strides = [1]} : vector<16xf32> to vector<1xf32>
        %squeeze3A_71 = vector.extract %slice3A_70[0] : f32 from vector<1xf32>
        %slice3A_72 = vector.extract_strided_slice %get3A_53 {offsets = [10], sizes = [1], strides = [1]} : vector<16xf32> to vector<1xf32>
        %squeeze3A_73 = vector.extract %slice3A_72[0] : f32 from vector<1xf32>
        %slice3A_74 = vector.extract_strided_slice %get3A_53 {offsets = [11], sizes = [1], strides = [1]} : vector<16xf32> to vector<1xf32>
        %squeeze3A_75 = vector.extract %slice3A_74[0] : f32 from vector<1xf32>
        %slice3A_76 = vector.extract_strided_slice %get3A_53 {offsets = [12], sizes = [1], strides = [1]} : vector<16xf32> to vector<1xf32>
        %squeeze3A_77 = vector.extract %slice3A_76[0] : f32 from vector<1xf32>
        %slice3A_78 = vector.extract_strided_slice %get3A_53 {offsets = [13], sizes = [1], strides = [1]} : vector<16xf32> to vector<1xf32>
        %squeeze3A_79 = vector.extract %slice3A_78[0] : f32 from vector<1xf32>
        %slice3A_80 = vector.extract_strided_slice %get3A_53 {offsets = [14], sizes = [1], strides = [1]} : vector<16xf32> to vector<1xf32>
        %squeeze3A_81 = vector.extract %slice3A_80[0] : f32 from vector<1xf32>
        %slice3A_82 = vector.extract_strided_slice %get3A_53 {offsets = [15], sizes = [1], strides = [1]} : vector<16xf32> to vector<1xf32>
        %squeeze3A_83 = vector.extract %slice3A_82[0] : f32 from vector<1xf32>
        %scan3A_84 = arith.constant 0 : i32
        %scan3A_85 = arith.constant 0 : i32
        %scan3A_86 = arith.constant 8 : i32
        %scan3A_87 = arith.addi %scan3A_85, %scan3A_86 : i32
        %scan3A_88 = arith.constant 1 : i32
        %scan3A_89 = scf.for %scan3A_92 = %scan3A_85 to %scan3A_87 step %scan3A_88 iter_args(%scan3A_93 = %scan3A_84) -> (i32)  : i32 {
          %mul3A_94 = arith.constant 16 : i32
          %mul3A_95 = arith.muli %scan3A_92, %mul3A_94 : i32
          %mul3A_96 = arith.constant 16 : i32
          %mul3A_97 = arith.muli %scan3A_47, %mul3A_96 : i32
          %add3A_98 = arith.constant 0 : i32
          %add3A_99 = arith.addi %mul3A_97, %add3A_98 : i32
          %get3A_100 = arith.index_cast %add3A_99 : i32 to index
          %get3A_101 = arith.index_cast %mul3A_95 : i32 to index
          %get3A_102 = tpu.vector_load %arg10[%get3A_100, %get3A_101] {strides = array<i32>} : memref<128x128xf32, #tpu.memory_space<vmem>>, vector<1x16xf32>,
          %get3A_103 = vector.shape_cast %get3A_102 : vector<1x16xf32> to vector<16xf32>
          %mul3A_104 = vector.broadcast %squeeze3A : f32 to vector<16xf32>
          %mul3A_105 = arith.mulf %get3A_103, %mul3A_104 : vector<16xf32>
          %swap3A = arith.index_cast %add3A_99 : i32 to index
          %swap3A_106 = arith.index_cast %mul3A_95 : i32 to index
          %swap3A_107 = tpu.vector_load %arg10[%swap3A, %swap3A_106] {strides = array<i32>} : memref<128x128xf32, #tpu.memory_space<vmem>>, vector<1x16xf32>,
          %swap3A_108 = vector.shape_cast %swap3A_107 : vector<1x16xf32> to vector<16xf32>
          %swap3A_109 = vector.shape_cast %mul3A_105 : vector<16xf32> to vector<1x16xf32>
          tpu.vector_store %arg10[%swap3A, %swap3A_106], %swap3A_109 {strides = array<i32>} : memref<128x128xf32, #tpu.memory_space<vmem>>, vector<1x16xf32>,
          %mul3A_110 = arith.constant 16 : i32
          %mul3A_111 = arith.muli %scan3A_47, %mul3A_110 : i32
          %add3A_112 = arith.constant 1 : i32
          %add3A_113 = arith.addi %mul3A_111, %add3A_112 : i32
          %get3A_114 = arith.index_cast %add3A_113 : i32 to index
          %get3A_115 = arith.index_cast %mul3A_95 : i32 to index
          %get3A_116 = tpu.vector_load %arg10[%get3A_114, %get3A_115] {strides = array<i32>} : memref<128x128xf32, #tpu.memory_space<vmem>>, vector<1x16xf32>,
          %get3A_117 = vector.shape_cast %get3A_116 : vector<1x16xf32> to vector<16xf32>
          %mul3A_118 = vector.broadcast %squeeze3A_55 : f32 to vector<16xf32>
          %mul3A_119 = arith.mulf %get3A_117, %mul3A_118 : vector<16xf32>
          %swap3A_120 = arith.index_cast %add3A_113 : i32 to index
          %swap3A_121 = arith.index_cast %mul3A_95 : i32 to index
          %swap3A_122 = tpu.vector_load %arg10[%swap3A_120, %swap3A_121] {strides = array<i32>} : memref<128x128xf32, #tpu.memory_space<vmem>>, vector<1x16xf32>,
          %swap3A_123 = vector.shape_cast %swap3A_122 : vector<1x16xf32> to vector<16xf32>
          %swap3A_124 = vector.shape_cast %mul3A_119 : vector<16xf32> to vector<1x16xf32>
          tpu.vector_store %arg10[%swap3A_120, %swap3A_121], %swap3A_124 {strides = array<i32>} : memref<128x128xf32, #tpu.memory_space<vmem>>, vector<1x16xf32>,
          %mul3A_125 = arith.constant 16 : i32
          %mul3A_126 = arith.muli %scan3A_47, %mul3A_125 : i32
          %add3A_127 = arith.constant 2 : i32
          %add3A_128 = arith.addi %mul3A_126, %add3A_127 : i32
          %get3A_129 = arith.index_cast %add3A_128 : i32 to index
          %get3A_130 = arith.index_cast %mul3A_95 : i32 to index
          %get3A_131 = tpu.vector_load %arg10[%get3A_129, %get3A_130] {strides = array<i32>} : memref<128x128xf32, #tpu.memory_space<vmem>>, vector<1x16xf32>,
          %get3A_132 = vector.shape_cast %get3A_131 : vector<1x16xf32> to vector<16xf32>
          %mul3A_133 = vector.broadcast %squeeze3A_57 : f32 to vector<16xf32>
          %mul3A_134 = arith.mulf %get3A_132, %mul3A_133 : vector<16xf32>
          %swap3A_135 = arith.index_cast %add3A_128 : i32 to index
          %swap3A_136 = arith.index_cast %mul3A_95 : i32 to index
          %swap3A_137 = tpu.vector_load %arg10[%swap3A_135, %swap3A_136] {strides = array<i32>} : memref<128x128xf32, #tpu.memory_space<vmem>>, vector<1x16xf32>,
          %swap3A_138 = vector.shape_cast %swap3A_137 : vector<1x16xf32> to vector<16xf32>
          %swap3A_139 = vector.shape_cast %mul3A_134 : vector<16xf32> to vector<1x16xf32>
          tpu.vector_store %arg10[%swap3A_135, %swap3A_136], %swap3A_139 {strides = array<i32>} : memref<128x128xf32, #tpu.memory_space<vmem>>, vector<1x16xf32>,
          %mul3A_140 = arith.constant 16 : i32
          %mul3A_141 = arith.muli %scan3A_47, %mul3A_140 : i32
          %add3A_142 = arith.constant 3 : i32
          %add3A_143 = arith.addi %mul3A_141, %add3A_142 : i32
          %get3A_144 = arith.index_cast %add3A_143 : i32 to index
          %get3A_145 = arith.index_cast %mul3A_95 : i32 to index
          %get3A_146 = tpu.vector_load %arg10[%get3A_144, %get3A_145] {strides = array<i32>} : memref<128x128xf32, #tpu.memory_space<vmem>>, vector<1x16xf32>,
          %get3A_147 = vector.shape_cast %get3A_146 : vector<1x16xf32> to vector<16xf32>
          %mul3A_148 = vector.broadcast %squeeze3A_59 : f32 to vector<16xf32>
          %mul3A_149 = arith.mulf %get3A_147, %mul3A_148 : vector<16xf32>
          %swap3A_150 = arith.index_cast %add3A_143 : i32 to index
          %swap3A_151 = arith.index_cast %mul3A_95 : i32 to index
          %swap3A_152 = tpu.vector_load %arg10[%swap3A_150, %swap3A_151] {strides = array<i32>} : memref<128x128xf32, #tpu.memory_space<vmem>>, vector<1x16xf32>,
          %swap3A_153 = vector.shape_cast %swap3A_152 : vector<1x16xf32> to vector<16xf32>
          %swap3A_154 = vector.shape_cast %mul3A_149 : vector<16xf32> to vector<1x16xf32>
          tpu.vector_store %arg10[%swap3A_150, %swap3A_151], %swap3A_154 {strides = array<i32>} : memref<128x128xf32, #tpu.memory_space<vmem>>, vector<1x16xf32>,
          %mul3A_155 = arith.constant 16 : i32
          %mul3A_156 = arith.muli %scan3A_47, %mul3A_155 : i32
          %add3A_157 = arith.constant 4 : i32
          %add3A_158 = arith.addi %mul3A_156, %add3A_157 : i32
          %get3A_159 = arith.index_cast %add3A_158 : i32 to index
          %get3A_160 = arith.index_cast %mul3A_95 : i32 to index
          %get3A_161 = tpu.vector_load %arg10[%get3A_159, %get3A_160] {strides = array<i32>} : memref<128x128xf32, #tpu.memory_space<vmem>>, vector<1x16xf32>,
          %get3A_162 = vector.shape_cast %get3A_161 : vector<1x16xf32> to vector<16xf32>
          %mul3A_163 = vector.broadcast %squeeze3A_61 : f32 to vector<16xf32>
          %mul3A_164 = arith.mulf %get3A_162, %mul3A_163 : vector<16xf32>
          %swap3A_165 = arith.index_cast %add3A_158 : i32 to index
          %swap3A_166 = arith.index_cast %mul3A_95 : i32 to index
          %swap3A_167 = tpu.vector_load %arg10[%swap3A_165, %swap3A_166] {strides = array<i32>} : memref<128x128xf32, #tpu.memory_space<vmem>>, vector<1x16xf32>,
          %swap3A_168 = vector.shape_cast %swap3A_167 : vector<1x16xf32> to vector<16xf32>
          %swap3A_169 = vector.shape_cast %mul3A_164 : vector<16xf32> to vector<1x16xf32>
          tpu.vector_store %arg10[%swap3A_165, %swap3A_166], %swap3A_169 {strides = array<i32>} : memref<128x128xf32, #tpu.memory_space<vmem>>, vector<1x16xf32>,
          %mul3A_170 = arith.constant 16 : i32
          %mul3A_171 = arith.muli %scan3A_47, %mul3A_170 : i32
          %add3A_172 = arith.constant 5 : i32
          %add3A_173 = arith.addi %mul3A_171, %add3A_172 : i32
          %get3A_174 = arith.index_cast %add3A_173 : i32 to index
          %get3A_175 = arith.index_cast %mul3A_95 : i32 to index
          %get3A_176 = tpu.vector_load %arg10[%get3A_174, %get3A_175] {strides = array<i32>} : memref<128x128xf32, #tpu.memory_space<vmem>>, vector<1x16xf32>,
          %get3A_177 = vector.shape_cast %get3A_176 : vector<1x16xf32> to vector<16xf32>
          %mul3A_178 = vector.broadcast %squeeze3A_63 : f32 to vector<16xf32>
          %mul3A_179 = arith.mulf %get3A_177, %mul3A_178 : vector<16xf32>
          %swap3A_180 = arith.index_cast %add3A_173 : i32 to index
          %swap3A_181 = arith.index_cast %mul3A_95 : i32 to index
          %swap3A_182 = tpu.vector_load %arg10[%swap3A_180, %swap3A_181] {strides = array<i32>} : memref<128x128xf32, #tpu.memory_space<vmem>>, vector<1x16xf32>,
          %swap3A_183 = vector.shape_cast %swap3A_182 : vector<1x16xf32> to vector<16xf32>
          %swap3A_184 = vector.shape_cast %mul3A_179 : vector<16xf32> to vector<1x16xf32>
          tpu.vector_store %arg10[%swap3A_180, %swap3A_181], %swap3A_184 {strides = array<i32>} : memref<128x128xf32, #tpu.memory_space<vmem>>, vector<1x16xf32>,
          %mul3A_185 = arith.constant 16 : i32
          %mul3A_186 = arith.muli %scan3A_47, %mul3A_185 : i32
          %add3A_187 = arith.constant 6 : i32
          %add3A_188 = arith.addi %mul3A_186, %add3A_187 : i32
          %get3A_189 = arith.index_cast %add3A_188 : i32 to index
          %get3A_190 = arith.index_cast %mul3A_95 : i32 to index
          %get3A_191 = tpu.vector_load %arg10[%get3A_189, %get3A_190] {strides = array<i32>} : memref<128x128xf32, #tpu.memory_space<vmem>>, vector<1x16xf32>,
          %get3A_192 = vector.shape_cast %get3A_191 : vector<1x16xf32> to vector<16xf32>
          %mul3A_193 = vector.broadcast %squeeze3A_65 : f32 to vector<16xf32>
          %mul3A_194 = arith.mulf %get3A_192, %mul3A_193 : vector<16xf32>
          %swap3A_195 = arith.index_cast %add3A_188 : i32 to index
          %swap3A_196 = arith.index_cast %mul3A_95 : i32 to index
          %swap3A_197 = tpu.vector_load %arg10[%swap3A_195, %swap3A_196] {strides = array<i32>} : memref<128x128xf32, #tpu.memory_space<vmem>>, vector<1x16xf32>,
          %swap3A_198 = vector.shape_cast %swap3A_197 : vector<1x16xf32> to vector<16xf32>
          %swap3A_199 = vector.shape_cast %mul3A_194 : vector<16xf32> to vector<1x16xf32>
          tpu.vector_store %arg10[%swap3A_195, %swap3A_196], %swap3A_199 {strides = array<i32>} : memref<128x128xf32, #tpu.memory_space<vmem>>, vector<1x16xf32>,
          %mul3A_200 = arith.constant 16 : i32
          %mul3A_201 = arith.muli %scan3A_47, %mul3A_200 : i32
          %add3A_202 = arith.constant 7 : i32
          %add3A_203 = arith.addi %mul3A_201, %add3A_202 : i32
          %get3A_204 = arith.index_cast %add3A_203 : i32 to index
          %get3A_205 = arith.index_cast %mul3A_95 : i32 to index
          %get3A_206 = tpu.vector_load %arg10[%get3A_204, %get3A_205] {strides = array<i32>} : memref<128x128xf32, #tpu.memory_space<vmem>>, vector<1x16xf32>,
          %get3A_207 = vector.shape_cast %get3A_206 : vector<1x16xf32> to vector<16xf32>
          %mul3A_208 = vector.broadcast %squeeze3A_67 : f32 to vector<16xf32>
          %mul3A_209 = arith.mulf %get3A_207, %mul3A_208 : vector<16xf32>
          %swap3A_210 = arith.index_cast %add3A_203 : i32 to index
          %swap3A_211 = arith.index_cast %mul3A_95 : i32 to index
          %swap3A_212 = tpu.vector_load %arg10[%swap3A_210, %swap3A_211] {strides = array<i32>} : memref<128x128xf32, #tpu.memory_space<vmem>>, vector<1x16xf32>,
          %swap3A_213 = vector.shape_cast %swap3A_212 : vector<1x16xf32> to vector<16xf32>
          %swap3A_214 = vector.shape_cast %mul3A_209 : vector<16xf32> to vector<1x16xf32>
          tpu.vector_store %arg10[%swap3A_210, %swap3A_211], %swap3A_214 {strides = array<i32>} : memref<128x128xf32, #tpu.memory_space<vmem>>, vector<1x16xf32>,
          %mul3A_215 = arith.constant 16 : i32
          %mul3A_216 = arith.muli %scan3A_47, %mul3A_215 : i32
          %add3A_217 = arith.constant 8 : i32
          %add3A_218 = arith.addi %mul3A_216, %add3A_217 : i32
          %get3A_219 = arith.index_cast %add3A_218 : i32 to index
          %get3A_220 = arith.index_cast %mul3A_95 : i32 to index
          %get3A_221 = tpu.vector_load %arg10[%get3A_219, %get3A_220] {strides = array<i32>} : memref<128x128xf32, #tpu.memory_space<vmem>>, vector<1x16xf32>,
          %get3A_222 = vector.shape_cast %get3A_221 : vector<1x16xf32> to vector<16xf32>
          %mul3A_223 = vector.broadcast %squeeze3A_69 : f32 to vector<16xf32>
          %mul3A_224 = arith.mulf %get3A_222, %mul3A_223 : vector<16xf32>
          %swap3A_225 = arith.index_cast %add3A_218 : i32 to index
          %swap3A_226 = arith.index_cast %mul3A_95 : i32 to index
          %swap3A_227 = tpu.vector_load %arg10[%swap3A_225, %swap3A_226] {strides = array<i32>} : memref<128x128xf32, #tpu.memory_space<vmem>>, vector<1x16xf32>,
          %swap3A_228 = vector.shape_cast %swap3A_227 : vector<1x16xf32> to vector<16xf32>
          %swap3A_229 = vector.shape_cast %mul3A_224 : vector<16xf32> to vector<1x16xf32>
          tpu.vector_store %arg10[%swap3A_225, %swap3A_226], %swap3A_229 {strides = array<i32>} : memref<128x128xf32, #tpu.memory_space<vmem>>, vector<1x16xf32>,
          %mul3A_230 = arith.constant 16 : i32
          %mul3A_231 = arith.muli %scan3A_47, %mul3A_230 : i32
          %add3A_232 = arith.constant 9 : i32
          %add3A_233 = arith.addi %mul3A_231, %add3A_232 : i32
          %get3A_234 = arith.index_cast %add3A_233 : i32 to index
          %get3A_235 = arith.index_cast %mul3A_95 : i32 to index
          %get3A_236 = tpu.vector_load %arg10[%get3A_234, %get3A_235] {strides = array<i32>} : memref<128x128xf32, #tpu.memory_space<vmem>>, vector<1x16xf32>,
          %get3A_237 = vector.shape_cast %get3A_236 : vector<1x16xf32> to vector<16xf32>
          %mul3A_238 = vector.broadcast %squeeze3A_71 : f32 to vector<16xf32>
          %mul3A_239 = arith.mulf %get3A_237, %mul3A_238 : vector<16xf32>
          %swap3A_240 = arith.index_cast %add3A_233 : i32 to index
          %swap3A_241 = arith.index_cast %mul3A_95 : i32 to index
          %swap3A_242 = tpu.vector_load %arg10[%swap3A_240, %swap3A_241] {strides = array<i32>} : memref<128x128xf32, #tpu.memory_space<vmem>>, vector<1x16xf32>,
          %swap3A_243 = vector.shape_cast %swap3A_242 : vector<1x16xf32> to vector<16xf32>
          %swap3A_244 = vector.shape_cast %mul3A_239 : vector<16xf32> to vector<1x16xf32>
          tpu.vector_store %arg10[%swap3A_240, %swap3A_241], %swap3A_244 {strides = array<i32>} : memref<128x128xf32, #tpu.memory_space<vmem>>, vector<1x16xf32>,
          %mul3A_245 = arith.constant 16 : i32
          %mul3A_246 = arith.muli %scan3A_47, %mul3A_245 : i32
          %add3A_247 = arith.constant 10 : i32
          %add3A_248 = arith.addi %mul3A_246, %add3A_247 : i32
          %get3A_249 = arith.index_cast %add3A_248 : i32 to index
          %get3A_250 = arith.index_cast %mul3A_95 : i32 to index
          %get3A_251 = tpu.vector_load %arg10[%get3A_249, %get3A_250] {strides = array<i32>} : memref<128x128xf32, #tpu.memory_space<vmem>>, vector<1x16xf32>,
          %get3A_252 = vector.shape_cast %get3A_251 : vector<1x16xf32> to vector<16xf32>
          %mul3A_253 = vector.broadcast %squeeze3A_73 : f32 to vector<16xf32>
          %mul3A_254 = arith.mulf %get3A_252, %mul3A_253 : vector<16xf32>
          %swap3A_255 = arith.index_cast %add3A_248 : i32 to index
          %swap3A_256 = arith.index_cast %mul3A_95 : i32 to index
          %swap3A_257 = tpu.vector_load %arg10[%swap3A_255, %swap3A_256] {strides = array<i32>} : memref<128x128xf32, #tpu.memory_space<vmem>>, vector<1x16xf32>,
          %swap3A_258 = vector.shape_cast %swap3A_257 : vector<1x16xf32> to vector<16xf32>
          %swap3A_259 = vector.shape_cast %mul3A_254 : vector<16xf32> to vector<1x16xf32>
          tpu.vector_store %arg10[%swap3A_255, %swap3A_256], %swap3A_259 {strides = array<i32>} : memref<128x128xf32, #tpu.memory_space<vmem>>, vector<1x16xf32>,
          %mul3A_260 = arith.constant 16 : i32
          %mul3A_261 = arith.muli %scan3A_47, %mul3A_260 : i32
          %add3A_262 = arith.constant 11 : i32
          %add3A_263 = arith.addi %mul3A_261, %add3A_262 : i32
          %get3A_264 = arith.index_cast %add3A_263 : i32 to index
          %get3A_265 = arith.index_cast %mul3A_95 : i32 to index
          %get3A_266 = tpu.vector_load %arg10[%get3A_264, %get3A_265] {strides = array<i32>} : memref<128x128xf32, #tpu.memory_space<vmem>>, vector<1x16xf32>,
          %get3A_267 = vector.shape_cast %get3A_266 : vector<1x16xf32> to vector<16xf32>
          %mul3A_268 = vector.broadcast %squeeze3A_75 : f32 to vector<16xf32>
          %mul3A_269 = arith.mulf %get3A_267, %mul3A_268 : vector<16xf32>
          %swap3A_270 = arith.index_cast %add3A_263 : i32 to index
          %swap3A_271 = arith.index_cast %mul3A_95 : i32 to index
          %swap3A_272 = tpu.vector_load %arg10[%swap3A_270, %swap3A_271] {strides = array<i32>} : memref<128x128xf32, #tpu.memory_space<vmem>>, vector<1x16xf32>,
          %swap3A_273 = vector.shape_cast %swap3A_272 : vector<1x16xf32> to vector<16xf32>
          %swap3A_274 = vector.shape_cast %mul3A_269 : vector<16xf32> to vector<1x16xf32>
          tpu.vector_store %arg10[%swap3A_270, %swap3A_271], %swap3A_274 {strides = array<i32>} : memref<128x128xf32, #tpu.memory_space<vmem>>, vector<1x16xf32>,
          %mul3A_275 = arith.constant 16 : i32
          %mul3A_276 = arith.muli %scan3A_47, %mul3A_275 : i32
          %add3A_277 = arith.constant 12 : i32
          %add3A_278 = arith.addi %mul3A_276, %add3A_277 : i32
          %get3A_279 = arith.index_cast %add3A_278 : i32 to index
          %get3A_280 = arith.index_cast %mul3A_95 : i32 to index
          %get3A_281 = tpu.vector_load %arg10[%get3A_279, %get3A_280] {strides = array<i32>} : memref<128x128xf32, #tpu.memory_space<vmem>>, vector<1x16xf32>,
          %get3A_282 = vector.shape_cast %get3A_281 : vector<1x16xf32> to vector<16xf32>
          %mul3A_283 = vector.broadcast %squeeze3A_77 : f32 to vector<16xf32>
          %mul3A_284 = arith.mulf %get3A_282, %mul3A_283 : vector<16xf32>
          %swap3A_285 = arith.index_cast %add3A_278 : i32 to index
          %swap3A_286 = arith.index_cast %mul3A_95 : i32 to index
          %swap3A_287 = tpu.vector_load %arg10[%swap3A_285, %swap3A_286] {strides = array<i32>} : memref<128x128xf32, #tpu.memory_space<vmem>>, vector<1x16xf32>,
          %swap3A_288 = vector.shape_cast %swap3A_287 : vector<1x16xf32> to vector<16xf32>
          %swap3A_289 = vector.shape_cast %mul3A_284 : vector<16xf32> to vector<1x16xf32>
          tpu.vector_store %arg10[%swap3A_285, %swap3A_286], %swap3A_289 {strides = array<i32>} : memref<128x128xf32, #tpu.memory_space<vmem>>, vector<1x16xf32>,
          %mul3A_290 = arith.constant 16 : i32
          %mul3A_291 = arith.muli %scan3A_47, %mul3A_290 : i32
          %add3A_292 = arith.constant 13 : i32
          %add3A_293 = arith.addi %mul3A_291, %add3A_292 : i32
          %get3A_294 = arith.index_cast %add3A_293 : i32 to index
          %get3A_295 = arith.index_cast %mul3A_95 : i32 to index
          %get3A_296 = tpu.vector_load %arg10[%get3A_294, %get3A_295] {strides = array<i32>} : memref<128x128xf32, #tpu.memory_space<vmem>>, vector<1x16xf32>,
          %get3A_297 = vector.shape_cast %get3A_296 : vector<1x16xf32> to vector<16xf32>
          %mul3A_298 = vector.broadcast %squeeze3A_79 : f32 to vector<16xf32>
          %mul3A_299 = arith.mulf %get3A_297, %mul3A_298 : vector<16xf32>
          %swap3A_300 = arith.index_cast %add3A_293 : i32 to index
          %swap3A_301 = arith.index_cast %mul3A_95 : i32 to index
          %swap3A_302 = tpu.vector_load %arg10[%swap3A_300, %swap3A_301] {strides = array<i32>} : memref<128x128xf32, #tpu.memory_space<vmem>>, vector<1x16xf32>,
          %swap3A_303 = vector.shape_cast %swap3A_302 : vector<1x16xf32> to vector<16xf32>
          %swap3A_304 = vector.shape_cast %mul3A_299 : vector<16xf32> to vector<1x16xf32>
          tpu.vector_store %arg10[%swap3A_300, %swap3A_301], %swap3A_304 {strides = array<i32>} : memref<128x128xf32, #tpu.memory_space<vmem>>, vector<1x16xf32>,
          %mul3A_305 = arith.constant 16 : i32
          %mul3A_306 = arith.muli %scan3A_47, %mul3A_305 : i32
          %add3A_307 = arith.constant 14 : i32
          %add3A_308 = arith.addi %mul3A_306, %add3A_307 : i32
          %get3A_309 = arith.index_cast %add3A_308 : i32 to index
          %get3A_310 = arith.index_cast %mul3A_95 : i32 to index
          %get3A_311 = tpu.vector_load %arg10[%get3A_309, %get3A_310] {strides = array<i32>} : memref<128x128xf32, #tpu.memory_space<vmem>>, vector<1x16xf32>,
          %get3A_312 = vector.shape_cast %get3A_311 : vector<1x16xf32> to vector<16xf32>
          %mul3A_313 = vector.broadcast %squeeze3A_81 : f32 to vector<16xf32>
          %mul3A_314 = arith.mulf %get3A_312, %mul3A_313 : vector<16xf32>
          %swap3A_315 = arith.index_cast %add3A_308 : i32 to index
          %swap3A_316 = arith.index_cast %mul3A_95 : i32 to index
          %swap3A_317 = tpu.vector_load %arg10[%swap3A_315, %swap3A_316] {strides = array<i32>} : memref<128x128xf32, #tpu.memory_space<vmem>>, vector<1x16xf32>,
          %swap3A_318 = vector.shape_cast %swap3A_317 : vector<1x16xf32> to vector<16xf32>
          %swap3A_319 = vector.shape_cast %mul3A_314 : vector<16xf32> to vector<1x16xf32>
          tpu.vector_store %arg10[%swap3A_315, %swap3A_316], %swap3A_319 {strides = array<i32>} : memref<128x128xf32, #tpu.memory_space<vmem>>, vector<1x16xf32>,
          %mul3A_320 = arith.constant 16 : i32
          %mul3A_321 = arith.muli %scan3A_47, %mul3A_320 : i32
          %add3A_322 = arith.constant 15 : i32
          %add3A_323 = arith.addi %mul3A_321, %add3A_322 : i32
          %get3A_324 = arith.index_cast %add3A_323 : i32 to index
          %get3A_325 = arith.index_cast %mul3A_95 : i32 to index
          %get3A_326 = tpu.vector_load %arg10[%get3A_324, %get3A_325] {strides = array<i32>} : memref<128x128xf32, #tpu.memory_space<vmem>>, vector<1x16xf32>,
          %get3A_327 = vector.shape_cast %get3A_326 : vector<1x16xf32> to vector<16xf32>
          %mul3A_328 = vector.broadcast %squeeze3A_83 : f32 to vector<16xf32>
          %mul3A_329 = arith.mulf %get3A_327, %mul3A_328 : vector<16xf32>
          %swap3A_330 = arith.index_cast %add3A_323 : i32 to index
          %swap3A_331 = arith.index_cast %mul3A_95 : i32 to index
          %swap3A_332 = tpu.vector_load %arg10[%swap3A_330, %swap3A_331] {strides = array<i32>} : memref<128x128xf32, #tpu.memory_space<vmem>>, vector<1x16xf32>,
          %swap3A_333 = vector.shape_cast %swap3A_332 : vector<1x16xf32> to vector<16xf32>
          %swap3A_334 = vector.shape_cast %mul3A_329 : vector<16xf32> to vector<1x16xf32>
          tpu.vector_store %arg10[%swap3A_330, %swap3A_331], %swap3A_334 {strides = array<i32>} : memref<128x128xf32, #tpu.memory_space<vmem>>, vector<1x16xf32>,
          %scan3A_335 = arith.constant 0 : i32
          scf.yield %scan3A_335 : i32
        }
        %scan3A_90 = arith.constant 8 : i32
        %scan3A_91 = arith.constant 0 : i32
        scf.yield %scan3A_91 : i32
      }
      %scan3A_45 = arith.constant 8 : i32
      "tpu.region"() ({
        %run_scoped3A = tpu.sem_alloc : memref<!tpu.dma_semaphore, #tpu.memory_space<semaphore_mem>>
        %dma_start3A_47 = arith.constant 0 : i32
        %dma_start3A_48 = tpu.memref_slice %arg8[%scan3A_27, %dma_start3A_47] : memref<80x128xi32, #tpu.memory_space<vmem>> -> memref<1x128xi32, #tpu.memory_space<vmem>>
        %dma_start3A_49 = tpu.memref_squeeze %dma_start3A_48 : memref<1x128xi32, #tpu.memory_space<vmem>> -> memref<128xi32, #tpu.memory_space<vmem>>
        %dma_start3A_50 = arith.constant 0 : i32
        %dma_start3A_51 = arith.constant 0 : i32
        %dma_start3A_52 = tpu.memref_slice %arg11[%dma_start3A_50, %dma_start3A_51] : memref<10240x128xf32, #tpu.memory_space<vmem_shared>> -> memref<10240x128xf32, #tpu.memory_space<vmem_shared>>
        tpu.enqueue_indirect_dma source(%arg10 : memref<128x128xf32, #tpu.memory_space<vmem>>) target(%dma_start3A_52 : memref<10240x128xf32, #tpu.memory_space<vmem_shared>>) offsets(%dma_start3A_49 : memref<128xi32, #tpu.memory_space<vmem>>) semaphore(%run_scoped3A : memref<!tpu.dma_semaphore, #tpu.memory_space<semaphore_mem>>) {add = true}
        %dma_wait3A_53 = arith.constant 0 : i32
        %dma_wait3A_54 = tpu.memref_slice %arg8[%scan3A_27, %dma_wait3A_53] : memref<80x128xi32, #tpu.memory_space<vmem>> -> memref<1x128xi32, #tpu.memory_space<vmem>>
        %dma_wait3A_55 = tpu.memref_squeeze %dma_wait3A_54 : memref<1x128xi32, #tpu.memory_space<vmem>> -> memref<128xi32, #tpu.memory_space<vmem>>
        %dma_wait3A_56 = arith.constant 0 : i32
        %dma_wait3A_57 = arith.constant 0 : i32
        %dma_wait3A_58 = tpu.memref_slice %arg11[%dma_wait3A_56, %dma_wait3A_57] : memref<10240x128xf32, #tpu.memory_space<vmem_shared>> -> memref<10240x128xf32, #tpu.memory_space<vmem_shared>>
        tpu.wait_indirect_dma semaphore(%run_scoped3A : memref<!tpu.dma_semaphore, #tpu.memory_space<semaphore_mem>>) src(%arg10 : memref<128x128xf32, #tpu.memory_space<vmem>>) dst(%dma_wait3A_58 : memref<10240x128xf32, #tpu.memory_space<vmem_shared>>)
        tpu.yield
      }) : () -> ()
      %scan3A_46 = arith.constant 0 : i32
      scf.yield %scan3A_46 : i32
    }
    %scan3A_23 = arith.constant 80 : i32
    %barrier3A_24 = arith.constant 0 : index
    tpu.barrier barrier_id(%barrier3A_24)
    %mul3A_25 = arith.constant 640 : i32
    %mul3A_26 = arith.muli %arg1, %mul3A_25 : i32
    "tpu.region"() ({
      %run_scoped3A = tpu.sem_alloc : memref<!tpu.dma_semaphore, #tpu.memory_space<semaphore_mem>>
      %dma_start3A = arith.constant 0 : i32
      %dma_start3A_27 = tpu.memref_slice %arg6[%arg0, %mul3A_26, %dma_start3A] : memref<2x10240x128xf32, #tpu.memory_space<hbm>> -> memref<1x640x128xf32, #tpu.memory_space<hbm>>
      %dma_start3A_28 = tpu.memref_squeeze %dma_start3A_27 : memref<1x640x128xf32, #tpu.memory_space<hbm>> -> memref<640x128xf32, #tpu.memory_space<hbm>>
      %dma_start3A_29 = arith.constant 0 : i32
      %dma_start3A_30 = tpu.memref_slice %arg11[%mul3A_26, %dma_start3A_29] : memref<10240x128xf32, #tpu.memory_space<vmem_shared>> -> memref<640x128xf32, #tpu.memory_space<vmem_shared>>
      tpu.enqueue_dma source(%dma_start3A_30 : memref<640x128xf32, #tpu.memory_space<vmem_shared>>) target(%dma_start3A_28 : memref<640x128xf32, #tpu.memory_space<hbm>>) target_semaphore(%run_scoped3A : memref<!tpu.dma_semaphore, #tpu.memory_space<semaphore_mem>>)
      %dma_wait3A = arith.constant 0 : i32
      %dma_wait3A_31 = tpu.memref_slice %arg6[%arg0, %mul3A_26, %dma_wait3A] : memref<2x10240x128xf32, #tpu.memory_space<hbm>> -> memref<1x640x128xf32, #tpu.memory_space<hbm>>
      %dma_wait3A_32 = tpu.memref_squeeze %dma_wait3A_31 : memref<1x640x128xf32, #tpu.memory_space<hbm>> -> memref<640x128xf32, #tpu.memory_space<hbm>>
      %dma_wait3A_33 = arith.constant 0 : i32
      %dma_wait3A_34 = tpu.memref_slice %arg11[%mul3A_26, %dma_wait3A_33] : memref<10240x128xf32, #tpu.memory_space<vmem_shared>> -> memref<640x128xf32, #tpu.memory_space<vmem_shared>>
      tpu.wait_dma2 semaphore(%run_scoped3A : memref<!tpu.dma_semaphore, #tpu.memory_space<semaphore_mem>>) src(%dma_wait3A_34 : memref<640x128xf32, #tpu.memory_space<vmem_shared>>) dst(%dma_wait3A_32 : memref<640x128xf32, #tpu.memory_space<hbm>>)
      tpu.yield
    }) : () -> ()
    return
  }
}

module attributes {stable_mosaic.version = 14 : i64} {
  func.func @body(%arg0: i32, %arg1: memref<2x1024x128xf32, #tpu.memory_space<vmem>>, %arg2: memref<1024x128xf32, #tpu.memory_space<vmem>>) attributes {dimension_semantics = [#tpu.dimension_semantics<arbitrary>], iteration_bounds = array<i64: 10>, scalar_prefetch = 0 : i64, scratch_operands = 0 : i64, tpu.core_type = #tpu.core_type<tc>, window_params = [{transform_indices = @transform_0, window_bounds = array<i64: 2, 1024, 128>}, {transform_indices = @transform_1, window_bounds = array<i64: 1024, 128>}]} {
    %get3A = arith.constant 0 : index
    %get3A_0 = arith.constant 0 : index
    %get3A_1 = arith.constant 0 : index
    %get3A_2 = vector.load %arg1[%get3A, %get3A_0, %get3A_1] : memref<2x1024x128xf32, #tpu.memory_space<vmem>>, vector<1x1024x128xf32>
    %get3A_3 = vector.shape_cast %get3A_2 : vector<1x1024x128xf32> to vector<1024x128xf32>
    %get3A_4 = arith.constant 1 : index
    %get3A_5 = arith.constant 0 : index
    %get3A_6 = arith.constant 0 : index
    %get3A_7 = vector.load %arg1[%get3A_4, %get3A_5, %get3A_6] : memref<2x1024x128xf32, #tpu.memory_space<vmem>>, vector<1x1024x128xf32>
    %get3A_8 = vector.shape_cast %get3A_7 : vector<1x1024x128xf32> to vector<1024x128xf32>
    %add3A = arith.addf %get3A_3, %get3A_8 : vector<1024x128xf32>
    %swap3A = arith.constant 0 : index
    %swap3A_9 = arith.constant 0 : index
    %swap3A_10 = vector.load %arg2[%swap3A, %swap3A_9] : memref<1024x128xf32, #tpu.memory_space<vmem>>, vector<1024x128xf32>
    tpu.vector_store %arg2[%swap3A, %swap3A_9], %add3A {strides = array<i32>} : memref<1024x128xf32, #tpu.memory_space<vmem>>, vector<1024x128xf32>,
    return
  }
  func.func @transform_0(%arg0: i32) -> (i32, i32, i32) {
    %c0_i32 = arith.constant 0 : i32
    %c0_i32_0 = arith.constant 0 : i32
    %c0_i32_1 = arith.constant 0 : i32
    return %c0_i32, %arg0, %c0_i32_0 : i32, i32, i32
  }
  func.func @transform_1(%arg0: i32) -> (i32, i32) {
    %c0_i32 = arith.constant 0 : i32
    %c0_i32_0 = arith.constant 0 : i32
    return %arg0, %c0_i32 : i32, i32
  }
}

module attributes {stable_mosaic.version = 14 : i64} {
  func.func @body(%arg0: i32, %arg1: memref<3xf32, #tpu.memory_space<smem>>, %arg2: memref<1024x128xf32, #tpu.memory_space<vmem>>, %arg3: memref<1024x128xf32, #tpu.memory_space<vmem>>, %arg4: memref<2x1024x128xf32, #tpu.memory_space<vmem>>, %arg5: memref<1024x128xf32, #tpu.memory_space<vmem>>) attributes {dimension_semantics = [#tpu.dimension_semantics<arbitrary>], iteration_bounds = array<i64: 10>, scalar_prefetch = 0 : i64, scratch_operands = 0 : i64, tpu.core_type = #tpu.core_type<tc>, window_params = [{transform_indices = @transform_0, window_bounds = array<i64: 3>}, {transform_indices = @transform_1, window_bounds = array<i64: 1024, 128>}, {transform_indices = @transform_2, window_bounds = array<i64: 1024, 128>}, {transform_indices = @transform_3, window_bounds = array<i64: 2, 1024, 128>}, {transform_indices = @transform_4, window_bounds = array<i64: 1024, 128>}]} {
    %get3A = arith.constant 0 : index
    %get3A_0 = arith.constant 0 : index
    %get3A_1 = arith.constant 0 : index
    %get3A_2 = vector.load %arg4[%get3A, %get3A_0, %get3A_1] : memref<2x1024x128xf32, #tpu.memory_space<vmem>>, vector<1x1024x128xf32>
    %get3A_3 = vector.shape_cast %get3A_2 : vector<1x1024x128xf32> to vector<1024x128xf32>
    %get3A_4 = arith.constant 1 : index
    %get3A_5 = arith.constant 0 : index
    %get3A_6 = arith.constant 0 : index
    %get3A_7 = vector.load %arg4[%get3A_4, %get3A_5, %get3A_6] : memref<2x1024x128xf32, #tpu.memory_space<vmem>>, vector<1x1024x128xf32>
    %get3A_8 = vector.shape_cast %get3A_7 : vector<1x1024x128xf32> to vector<1024x128xf32>
    %add3A = arith.addf %get3A_3, %get3A_8 : vector<1024x128xf32>
    %get3A_9 = arith.constant 0 : index
    %get3A_10 = memref.load %arg1[%get3A_9] : memref<3xf32, #tpu.memory_space<smem>>
    %get3A_11 = arith.constant 0 : index
    %get3A_12 = arith.constant 0 : index
    %get3A_13 = vector.load %arg2[%get3A_11, %get3A_12] : memref<1024x128xf32, #tpu.memory_space<vmem>>, vector<1024x128xf32>
    %mul3A = arith.mulf %get3A_13, %get3A_13 : vector<1024x128xf32>
    %reduce_sum3A = arith.constant dense<0.000000e+00> : vector<1024xf32>
    %reduce_sum3A_14 = vector.multi_reduction <add>, %mul3A, %reduce_sum3A [1] : vector<1024x128xf32> to vector<1024xf32>
    %broadcast_in_dim3A = vector.shape_cast %reduce_sum3A_14 : vector<1024xf32> to vector<1024x1xf32>
    %sqrt3A = math.sqrt %broadcast_in_dim3A : vector<1024x1xf32>
    %max3A = arith.constant 9.99999996E-13 : f32
    %max3A_15 = vector.broadcast %max3A : f32 to vector<1024x1xf32>
    %max3A_16 = arith.maximumf %sqrt3A, %max3A_15 : vector<1024x1xf32>
    %div3A = vector.broadcast %max3A_16 : vector<1024x1xf32> to vector<1024x128xf32>
    %div3A_17 = arith.divf %get3A_13, %div3A : vector<1024x128xf32>
    %mul3A_18 = vector.broadcast %get3A_10 : f32 to vector<1024x128xf32>
    %mul3A_19 = arith.mulf %mul3A_18, %div3A_17 : vector<1024x128xf32>
    %get3A_20 = arith.constant 1 : index
    %get3A_21 = memref.load %arg1[%get3A_20] : memref<3xf32, #tpu.memory_space<smem>>
    %get3A_22 = arith.constant 0 : index
    %get3A_23 = arith.constant 0 : index
    %get3A_24 = vector.load %arg3[%get3A_22, %get3A_23] : memref<1024x128xf32, #tpu.memory_space<vmem>>, vector<1024x128xf32>
    %mul3A_25 = arith.mulf %get3A_24, %get3A_24 : vector<1024x128xf32>
    %reduce_sum3A_26 = arith.constant dense<0.000000e+00> : vector<1024xf32>
    %reduce_sum3A_27 = vector.multi_reduction <add>, %mul3A_25, %reduce_sum3A_26 [1] : vector<1024x128xf32> to vector<1024xf32>
    %broadcast_in_dim3A_28 = vector.shape_cast %reduce_sum3A_27 : vector<1024xf32> to vector<1024x1xf32>
    %sqrt3A_29 = math.sqrt %broadcast_in_dim3A_28 : vector<1024x1xf32>
    %max3A_30 = arith.constant 9.99999996E-13 : f32
    %max3A_31 = vector.broadcast %max3A_30 : f32 to vector<1024x1xf32>
    %max3A_32 = arith.maximumf %sqrt3A_29, %max3A_31 : vector<1024x1xf32>
    %div3A_33 = vector.broadcast %max3A_32 : vector<1024x1xf32> to vector<1024x128xf32>
    %div3A_34 = arith.divf %get3A_24, %div3A_33 : vector<1024x128xf32>
    %mul3A_35 = vector.broadcast %get3A_21 : f32 to vector<1024x128xf32>
    %mul3A_36 = arith.mulf %mul3A_35, %div3A_34 : vector<1024x128xf32>
    %add3A_37 = arith.addf %mul3A_19, %mul3A_36 : vector<1024x128xf32>
    %get3A_38 = arith.constant 2 : index
    %get3A_39 = memref.load %arg1[%get3A_38] : memref<3xf32, #tpu.memory_space<smem>>
    %mul3A_40 = arith.mulf %add3A, %add3A : vector<1024x128xf32>
    %reduce_sum3A_41 = arith.constant dense<0.000000e+00> : vector<1024xf32>
    %reduce_sum3A_42 = vector.multi_reduction <add>, %mul3A_40, %reduce_sum3A_41 [1] : vector<1024x128xf32> to vector<1024xf32>
    %broadcast_in_dim3A_43 = vector.shape_cast %reduce_sum3A_42 : vector<1024xf32> to vector<1024x1xf32>
    %sqrt3A_44 = math.sqrt %broadcast_in_dim3A_43 : vector<1024x1xf32>
    %max3A_45 = arith.constant 9.99999996E-13 : f32
    %max3A_46 = vector.broadcast %max3A_45 : f32 to vector<1024x1xf32>
    %max3A_47 = arith.maximumf %sqrt3A_44, %max3A_46 : vector<1024x1xf32>
    %div3A_48 = vector.broadcast %max3A_47 : vector<1024x1xf32> to vector<1024x128xf32>
    %div3A_49 = arith.divf %add3A, %div3A_48 : vector<1024x128xf32>
    %mul3A_50 = vector.broadcast %get3A_39 : f32 to vector<1024x128xf32>
    %mul3A_51 = arith.mulf %mul3A_50, %div3A_49 : vector<1024x128xf32>
    %add3A_52 = arith.addf %add3A_37, %mul3A_51 : vector<1024x128xf32>
    %mul3A_53 = arith.constant 2.000000e+00 : f32
    %mul3A_54 = vector.broadcast %mul3A_53 : f32 to vector<1024x128xf32>
    %mul3A_55 = arith.mulf %mul3A_54, %add3A_52 : vector<1024x128xf32>
    %swap3A = arith.constant 0 : index
    %swap3A_56 = arith.constant 0 : index
    %swap3A_57 = vector.load %arg5[%swap3A, %swap3A_56] : memref<1024x128xf32, #tpu.memory_space<vmem>>, vector<1024x128xf32>
    tpu.vector_store %arg5[%swap3A, %swap3A_56], %mul3A_55 {strides = array<i32>} : memref<1024x128xf32, #tpu.memory_space<vmem>>, vector<1024x128xf32>,
    return
  }
  func.func @transform_0(%arg0: i32) -> i32 {
    %c0_i32 = arith.constant 0 : i32
    %c0_i32_0 = arith.constant 0 : i32
    return %c0_i32 : i32
  }
  func.func @transform_1(%arg0: i32) -> (i32, i32) {
    %c0_i32 = arith.constant 0 : i32
    %c0_i32_0 = arith.constant 0 : i32
    return %arg0, %c0_i32 : i32, i32
  }
  func.func @transform_2(%arg0: i32) -> (i32, i32) {
    %c0_i32 = arith.constant 0 : i32
    %c0_i32_0 = arith.constant 0 : i32
    return %arg0, %c0_i32 : i32, i32
  }
  func.func @transform_3(%arg0: i32) -> (i32, i32, i32) {
    %c0_i32 = arith.constant 0 : i32
    %c0_i32_0 = arith.constant 0 : i32
    %c0_i32_1 = arith.constant 0 : i32
    return %c0_i32, %arg0, %c0_i32_0 : i32, i32, i32
  }
  func.func @transform_4(%arg0: i32) -> (i32, i32) {
    %c0_i32 = arith.constant 0 : i32
    %c0_i32_0 = arith.constant 0 : i32
    return %arg0, %c0_i32 : i32, i32
  }
}

</mosaic_0001>

<sc_bundles>
// kernel: kernel.6.cloned.1.call-start
scs
__scs_entry_jumppad:
0x0: {  	(pc) =	sbr.rel $0x88, $3  }
0x1: {  	(tag) =	ssettag $0x0;
	lr =	simm.s32 $0x1  }
0x2: {  	[smem:$0x3F9D] =	sst lr;
	_ =	strace $0xD0000000  }
0x3: {  	_ = 	snop  }
0x4: {  	_ = 	snop  }
0x5: {  	_ = 	snop  }
0x6: {  	_ = 	snop  }
0x7: {  	_ = 	snop  }
__scs_overlays_trampoline_lowered:
0x8: {  	[smem:$0x3FAC] =	sst s0  }
0x9: {  	[smem:$0x3FAD] =	sst s1  }
0xa: {  	[smem:$0x3FAE] =	sst s2  }
0xb: {  	[smem:$0x3FAF] =	sst s3  }
0xc: {  	[smem:$0x3FB0] =	sst s4  }
0xd: {  	[smem:$0x3FB1] =	sst s5  }
0xe: {  	[smem:$0x3FB2] =	sst s6  }
0xf: {  	[smem:$0x3FB3] =	sst s7  }
0x10: {  	[smem:$0x3FB4] =	sst s8  }
0x11: {  	[smem:$0x3FB5] =	sst s9;
	s0 =	simm.s32 @!p0 $0x0  }
0x12: {  	s1 =	sld [smem:$0x3F9B];
	s0 =	simm.s32 @p0 $0x1  }
0x13: {  	[smem:$0x3FB6] =	sst s0;
	s0 =	simm.s32 @!p1 $0x0  }
0x14: {  	s2 =	sld [smem:$0x3F9A];
	s0 =	simm.s32 @p1 $0x1  }
0x15: {  	[smem:$0x3FB7] =	sst s0;
	s0 =	simm.s32 @!p2 $0x0  }
0x16: {  	s3 =	sld [smem:$0x3FDB];
	s0 =	simm.s32 @p2 $0x1  }
0x17: {  	s4 =	simm.s32 $0x1BF5;
	[smem:$0x3FB9] =	sst s0  }
0x18: {  	s0 =	sld [smem:$0x3F9C];
	_ =	swait.ge [sflag:s4], $0x0  }
0x19: {  	s7 =	sld [smem:$0x3F9D]  }
0x1a: {  	s8 =	sadd.s32 $0xFFFFE003, lr  }
0x1b: {  	s9 =	sadd.s32 $0xFFFFFEF7, lr;
	s5 =	simm.s32 $0xFFFFFFFF;
	p2 =	slt.u32 s8, $0xFFFFF086  }
0x1c: {  	p1 =	slt.u32 s9, $0xF7A;
	s5 =	simm.s32 @!p2 $0x0  }
0x1d: {  	s5 =	simm.s32 @p1 $0x1;
	p0 =	seq.s32 s7, s2  }
0x1e: {  	s7 =	smul.u32 @!p0 $0xF7A, s2;
	p2 =	seq.s32 @!p0 s5, $0x0  }
0x1f: {  	s9 =	smul.u32 $0xF7A, s1;
	s8 =	simm.s32 @!p0 $0x1BF5;
	p2 =	por !p2, p0  }
0x20: {  	[sflag:s8] =	ssyncset.s32 @!p0 $0xFFFFF086;
	s6 =	sadd.s32 @!p0 s3, s7;
	s7 =	simm.s32 @!p0 $0x108  }
0x21: {  	s3 =	sadd.s32 s3, s9;
	s6 =	sadd.s32 @!p0 $0x88, s6;
	s7 =	simm.s32 @p2 $0x1082  }
0x22: {  	[simem:s7], [sflag:s8] =	dma.local @!p0 [hbm:s6], $0xF7A  }
0x23: {  	s9 =	sor.u32 $0xD0000000, s2;
	s6 =	simm.s32 $0x108;
	_ =	swait.ge @!p0 [sflag:s8], $0x0  }
0x24: {  	s3 =	sadd.s32 $0x88, s3;
	s6 =	simm.s32 @!p1 $0x1082;
	[sflag:s4] =	ssyncset.s32 $0xFFFFF086  }
0x25: {  	[simem:s6], [sflag:s4] =	dma.local [hbm:s3], $0xF7A  }
0x26: {  	[smem:$0x3F9D] =	sst s1;
	(tag) =	ssettag s2;
	_ =	strace s9  }
0x27: {  	s1 =	sld [smem:$0x3FAD]  }
0x28: {  	s2 =	sld [smem:$0x3FAE]  }
0x29: {  	s4 =	sld [smem:$0x3FB0]  }
0x2a: {  	p0 =	seq.s32 s5, $0x0;
	s5 =	sld [smem:$0x3FB1]  }
0x2b: {  	s6 =	sld [smem:$0x3FB2]  }
0x2c: {  	s7 =	sld [smem:$0x3FB3]  }
0x2d: {  	s3 =	simm.s32 $0x108;
	s8 =	sld [smem:$0x3FB4]  }
0x2e: {  	s3 =	simm.s32 @!p0 $0x1082;
	s9 =	sld [smem:$0x3FB5]  }
0x2f: {  	lr =	sadd.s32 s0, s3;
	s0 =	sld [smem:$0x3FAC]  }
0x30: {  	s3 =	sld [smem:$0x3FAF]  }
0x31: {  	[smem:$0x3FB8] =	sst s10  }
0x32: {  	s10 =	sld [smem:$0x3FB6];
	_ =	sdelay $0x3  }
0x33: {  	p0 =	seq.s32 s10, $0x1;
	s10 =	sld [smem:$0x3FB8];
	_ =	sdelay $0x3  }
0x34: {  	[smem:$0x3FB8] =	sst s10  }
0x35: {  	s10 =	sld [smem:$0x3FB7];
	_ =	sdelay $0x3  }
0x36: {  	p1 =	seq.s32 s10, $0x1;
	s10 =	sld [smem:$0x3FB8];
	_ =	sdelay $0x3  }
0x37: {  	[smem:$0x3FB8] =	sst s10  }
0x38: {  	s10 =	sld [smem:$0x3FB9]  }
0x39: {  	_ = 	snop;
	(pc) =	sbr.ind lr, $3  }
0x3a: {  	_ = 	snop  }
0x3b: {  	_ = 	snop  }
0x3c: {  	p2 =	seq.s32 s10, $0x1;
	s10 =	sld [smem:$0x3FB8]  }
0x3d: {  	_ =	shalt  }
0x3e: {  	_ =	shalt  }
0x3f: {  	_ =	shalt  }
0x40: {  	_ =	shalt  }
0x41: {  	_ =	shalt  }
0x42: {  	_ =	shalt  }
0x43: {  	_ =	shalt  }
0x44: {  	_ =	shalt  }
0x45: {  	_ =	shalt  }
0x46: {  	_ =	shalt  }
0x47: {  	_ =	shalt  }
0x48: {  	_ =	shalt  }
0x49: {  	_ =	shalt  }
0x4a: {  	_ =	shalt  }
0x4b: {  	_ =	shalt  }
0x4c: {  	_ =	shalt  }
0x4d: {  	_ =	shalt  }
0x4e: {  	_ =	shalt  }
0x4f: {  	_ =	shalt  }
0x50: {  	_ =	shalt  }
0x51: {  	_ =	shalt  }
0x52: {  	_ =	shalt  }
0x53: {  	_ =	shalt  }
0x54: {  	_ =	shalt  }
0x55: {  	_ =	shalt  }
0x56: {  	_ =	shalt  }
0x57: {  	_ =	shalt  }
0x58: {  	_ =	shalt  }
0x59: {  	_ =	shalt  }
0x5a: {  	_ =	shalt  }
0x5b: {  	_ =	shalt  }
0x5c: {  	_ =	shalt  }
0x5d: {  	_ =	shalt  }
0x5e: {  	_ =	shalt  }
0x5f: {  	_ =	shalt  }
0x60: {  	_ =	shalt  }
0x61: {  	_ =	shalt  }
0x62: {  	_ =	shalt  }
0x63: {  	_ =	shalt  }
0x64: {  	_ =	shalt  }
0x65: {  	_ =	shalt  }
0x66: {  	_ =	shalt  }
0x67: {  	_ =	shalt  }
0x68: {  	_ =	shalt  }
0x69: {  	_ =	shalt  }
0x6a: {  	_ =	shalt  }
0x6b: {  	_ =	shalt  }
0x6c: {  	_ =	shalt  }
0x6d: {  	_ =	shalt  }
0x6e: {  	_ =	shalt  }
0x6f: {  	_ =	shalt  }
0x70: {  	_ =	shalt  }
0x71: {  	_ =	shalt  }
0x72: {  	_ =	shalt  }
0x73: {  	_ =	shalt  }
0x74: {  	_ =	shalt  }
0x75: {  	_ =	shalt  }
0x76: {  	_ =	shalt  }
0x77: {  	_ =	shalt  }
0x78: {  	_ =	shalt  }
0x79: {  	_ =	shalt  }
0x7a: {  	_ =	shalt  }
0x7b: {  	_ =	shalt  }
0x7c: {  	_ =	shalt  }
0x7d: {  	_ =	shalt  }
0x7e: {  	_ =	shalt  }
0x7f: {  	_ =	shalt  }
0x80: {  	_ =	shalt  }
0x81: {  	_ =	shalt  }
0x82: {  	_ =	shalt  }
0x83: {  	_ =	shalt  }
0x84: {  	_ =	shalt  }
0x85: {  	_ =	shalt  }
0x86: {  	_ =	shalt  }
0x87: {  	_ =	shalt  }
.Lfunc_end0:
.L_simem_size_0:
called_computation_lowered:
.L_overlay_start_0:
0x88: {  	s2 =	sld [smem:$0x3FD9]  }
0x89: {  	s3 =	sld [smem:$0x3FFE];
	_ =	sdelay $0x1  }
0x8a: {  	s1 =	srdreg.scid  }
0x8b: {  	s0 =	sand.u32 $0x1, s1  }
0x8c: {  	s17 =	sshll.u32 s0, $0xA;
	s2 =	sadd.s32 s3, s2  }
0x8d: {  	s2 =	sadd.s32 s2, s17  }
0x8e: {  	[smem:$0x3FC4] =	sst s2  }
0x8f: {  	_ = 	snop  }
0x90: {  	s2 =	sld [smem:$0x3FD0];
	(tm) =	ssettm $0x1  }
0x91: {  	s18 =	sld [smem:$0x3FFB];
	_ =	sdelay $0x3  }
0x92: {  	_ =	strace s18  }
0x93: {  	s3 =	sld [smem:$0x3FFC];
	_ =	sdelay $0x3  }
0x94: {  	_ =	strace s3  }
0x95: {  	s3 =	sld [smem:$0x3FFD];
	_ =	sdelay $0x3  }
0x96: {  	_ =	strace s3  }
0x97: {  	_ =	strace $0x8FFFFFFF  }
0x98: {  	s19 =	sld [smem:$0x3FDB];
	_ =	sdelay $0x1  }
0x99: {  	s4 =	simm.s32 $_scs_section_size  }
0x9a: {  	s5 =	simm.s32 $_size__tile_overlayer_lowered;
	s6 =	simm.s32 $_tile_overlayer_lowered  }
0x9b: {  	s22 =	simm.s32 $0x1BFF;
	s21 =	sshll.u32 s6, $0x1;
	s3 =	sadd.s32 s4, s19  }
0x9c: {  	s7 =	simm.s32 $0x0;
	s20 =	sshll.u32 s5, $0x1;
	s5 =	sadd.s32 s21, s3  }
0x9d: {  	[timem:s7], [sflag:s22] =	dma.local [hbm:s5], s20  }
0x9e: {  	_ =	swait.ge [sflag:s22], s20  }
0x9f: {  	s4 =	ssub.s32 $0x0, s20;
	[sflag:s22] =	ssyncset.done $0x0  }
0xa0: {  	[sflag:s22] =	ssyncadd.s32 s4;
	_ =	sdelay $0x1  }
0xa1: {  	s23 =	simm.s32 $0x1B8B  }
0xa2: {  	_ =	swait.ge [sflag:s23], $0x1  }
0xa3: {  	[sflag:s23] =	ssyncset.done $0x0  }
0xa4: {  	s25 =	simm.s32 $0x1B8E;
	s24 =	sld [smem:$0x3FFE];
	[sflag:s23] =	ssyncadd.s32 $0xFFFFFFFF  }
0xa5: {  	s26 =	simm.s32 $execute0_lowered;
	[smem:$0x3FD2] =	sst s25  }
0xa6: {  	s5 =	sshll.u32 s26, $0x1;
	_ =	strace $0x80000046;
	[dreg:$0x1] =	wrdreg $0xFFFFFFFF  }
0xa7: {  	s28 =	simm.s32 $_size_execute0_lowered;
	s3 =	sadd.s32 s3, s5;
	[dreg:$0x0] =	wrdreg $0x0  }
0xa8: {  	s5 =	sshll.u32 s28, $0x1;
	[dreg:$0x2] =	wrdreg s3  }
0xa9: {  	[dreg:$0x3] =	wrdreg s5  }
0xaa: {  	[dreg:$0x4] =	wrdreg $0xC0  }
0xab: {  	_ =	task [dreg:s7], $0x5FFFF  }
0xac: {  	[dreg:$0x1] =	wrdreg $0xFFFFFFFF  }
0xad: {  	[dreg:$0x0] =	wrdreg $0x60  }
0xae: {  	[dreg:$0x2] =	wrdreg s24  }
0xaf: {  	[dreg:$0x3] =	wrdreg s2  }
0xb0: {  	[dreg:$0x4] =	wrdreg $0xB8000  }
0xb1: {  	[dreg:$0x5] =	wrdreg $0x9  }
0xb2: {  	_ =	task.clear_ibuf [dreg:s7], $0x6FFFF;
	_ =	strace $0x90000046  }
0xb3: {  	s29 =	simm.s32 $0x9;
	_ =	strace $0x80000048  }
0xb4: {  	_ =	swait.ge [sflag:s29], $0x1  }
0xb5: {  	[sflag:s29] =	ssyncadd.s32 $0xFFFFFFFF  }
0xb6: {  	_ =	strace $0x90000048  }
0xb7: {  	_ =	sfence  }
0xb8: {  	s30 =	sld [smem:$0x0];
	_ =	sdelay $0x2  }
0xb9: {  	s31 =	sshll.u32 s1, $0xD;
	s1 =	sshrl.u32 s1, $0x2  }
0xba: {  	s3 =	sand.u32 $0x4000, s31;
	s1 =	sadd.s32 s1, s30  }
0xbb: {  	s0 =	sor.u32 s3, s0;
	s1 =	sshll.u32 s1, $0x11  }
0xbc: {  	s0 =	sor.u32 s1, s0  }
0xbd: {  	s0 =	sadd.s32 $0x8F2B, s0  }
0xbe: {  	[sflag:s0] =	ssyncadd.remote.s32 $0x1  }
0xbf: {  	_ =	sfence.sel $0xFFFF  }
0xc0: {  	[dreg:$0x0] =	wrdreg $0xFFFFFFFF;
	(pc) =	sbr.abs _section_cstart, $3  }
0xc1: {  	[dreg:$0x1] =	wrdreg $0xFFFFFFFF  }
0xc2: {  	_ =	task.clear_ibuf [dreg:s7], $0x2FFFF;
	_ =	strace $0x9FFFFFFF  }
0xc3: {  	(tm) =	ssettm $0x7FFFFFFF  }
tec
execute0_lowered:
.L_overlay_start_1:
0x0: {  	(tag) =	ssettag $0x1  }
0x1: {  	s6 =	rddreg [dreg:$0x0]  }
0x2: {  	s10 =	rddreg [dreg:$0x1]  }
0x3: {  	s0 =	srdreg.scid;
	s2 =	rddreg [dreg:$0x2]  }
0x4: {  	s1 =	rddreg [dreg:$0x3];
	s3 =	simm.s32 $0x0;
	s5 =	sand.u32 $0x1, s0  }
0x5: {  	s15 =	simm.s32 $0x7800;
	s0 =	stileid.u32;
	s4 =	smul.u32 $0x28000, s5  }
0x6: {  	s16 =	simm.s32 $0x2;
	s17 =	simm.s32 $0x2800;
	s7 =	smul.u32 $0x2800, s0  }
0x7: {  	s18 =	simm.s32 $0x5000;
	s19 =	simm.s32 $0x80;
	s8 =	smul.u32 $0x140000, s5  }
0x8: {  	s20 =	simm.s32 $0x1;
	s21 =	simm.s32 $0x0;
	s28 =	smul.u32 $0x14000, s0  }
0x9: {  	[smem:$0x7FF] =	sst s3;
	s9 =	smul.u32 $0x50000, s0;
	s29 =	ssub.s32 $0x2, s5  }
0xa: {  	_ =	strace $0x80000047;
	s31 =	sshrl.u32 s29, $0x1;
	s4 =	sadd.s32 s7, s4  }
0xb: {  	s7 =	sadd.s32 s28, s8;
	s30 =	sshrl.u32 s9, $0x2;
	s14 =	ssub.s32 s29, s31  }
0xc: {  	s11 =	sshrl.u32 s4, $0x3;
	s4 =	sadd.s32 $0x15A00, s6;
	s7 =	sshrl.u32 s7, $0x3  }
0xd: {  	s5 =	sadd.s32 s30, s2;
	s14 =	smax.u32 s14, $0x1;
	s12 =	sadd.s32 s11, s6  }
0xe: {  	s13 =	sadd.s32 s7, s6;
	s6 =	sadd.s32 $0x4000, s5;
	s7 =	sadd.s32 $0x8000, s5  }
0xf: {  	s8 =	sadd.s32 $0xC000, s5;
	s9 =	sadd.s32 $0x10000, s5;
	s10 =	sadd.s32 s10, s11  }
0x10: {  	v0 =	vimm.f32 $0.0e+00;
	s11 =	sadd.s32 $0xBA00, s12;
	s12 =	sadd.s32 $0x1A00, s12;
	s13 =	sadd.s32 $0x3DA00, s13  }
.LBB2_1:
0x11: {  	s22 =	sand.u32 $0xFE00, s3  }
0x12: {  	s23 =	sand.u32 $0x70, s3;
	s24 =	sshrl.u32 s22, $0x2  }
0x13: {  	s22 =	simm.s32 $0x40;
	s24 =	sor.u32 s23, s24;
	s23 =	simm.s32 $0x0  }
.LBB2_2:
0x14: {  	p0 =	sne.s32 s22, $0xFFC0  }
0x15: {  	[tilespmem:s24+$0x7800] =	vst v0;
	s23 =	sadd.s32 $0x10, s23;
	s24 =	smov.u32 s22;
	s22 =	sadd.s32 $0x40, s22  }
.Ltmp0:
0x16: {  	(pc) =	sbr.rel @p0 .LBB2_2-.Ltmp0, $4  }
0x17: {  	_ = 	snop  }
0x18: {  	s24 =	sand.u32 $0xFE00, s24  }
0x19: {  	s25 =	sand.u32 $0x70, s23;
	s24 =	sshrl.u32 s24, $0x2  }
0x1a: {  	s24 =	sor.u32 s25, s24  }
0x1b: {  	[tilespmem:s24+$0x7800] =	vst v0  }
0x1c: {  	[spmem:s5] =	stream.linear.scatter [tilespmem:s15], [sflag:$0x2], $0x4000, $0x38;
	[tilespmem:$0x1F800] =	vst v63  }
0x1d: {  	_ =	swait.ge [sflag:s16], $0x4000  }
0x1e: {  	[sflag:s16] =	ssyncset.done $0x0  }
0x1f: {  	[sflag:s16] =	ssyncadd.s32 $0xFFFFC000  }
0x20: {  	[spmem:s6] =	stream.linear.scatter [tilespmem:s15], [sflag:$0x2], $0x4000, $0x38;
	[tilespmem:$0x1F800] =	vst v63  }
0x21: {  	_ =	swait.ge [sflag:s16], $0x4000  }
0x22: {  	[sflag:s16] =	ssyncset.done $0x0  }
0x23: {  	[sflag:s16] =	ssyncadd.s32 $0xFFFFC000  }
0x24: {  	[spmem:s7] =	stream.linear.scatter [tilespmem:s15], [sflag:$0x2], $0x4000, $0x38;
	[tilespmem:$0x1F800] =	vst v63  }
0x25: {  	_ =	swait.ge [sflag:s16], $0x4000  }
0x26: {  	[sflag:s16] =	ssyncset.done $0x0  }
0x27: {  	[sflag:s16] =	ssyncadd.s32 $0xFFFFC000  }
0x28: {  	[spmem:s8] =	stream.linear.scatter [tilespmem:s15], [sflag:$0x2], $0x4000, $0x38;
	[tilespmem:$0x1F800] =	vst v63  }
0x29: {  	_ =	swait.ge [sflag:s16], $0x4000  }
0x2a: {  	[sflag:s16] =	ssyncset.done $0x0  }
0x2b: {  	[sflag:s16] =	ssyncadd.s32 $0xFFFFC000  }
0x2c: {  	[spmem:s9] =	stream.linear.scatter [tilespmem:s15], [sflag:$0x2], $0x4000, $0x38;
	[tilespmem:$0x1F800] =	vst v63  }
0x2d: {  	_ =	swait.ge [sflag:s16], $0x4000  }
0x2e: {  	[sflag:s16] =	ssyncset.done $0x0  }
0x2f: {  	s22 =	simm.s32 $0x0;
	[sflag:s16] =	ssyncadd.s32 $0xFFFFC000  }
0x30: {  	[tilespmem:s22], [sflag:$0x2] =	stream.linear.gather [hbm4b:s10+s22], $0x2800, $0x38;
	[tilespmem:$0x1F800] =	vst v63  }
0x31: {  	_ =	swait.ge [sflag:s16], $0x2800  }
0x32: {  	[sflag:s16] =	ssyncset.done $0x0  }
0x33: {  	[sflag:s16] =	ssyncadd.s32 $0xFFFFD800  }
0x34: {  	[tilespmem:s17], [sflag:$0x2] =	stream.linear.gather [hbm4b:s11+s22], $0x2800, $0x38;
	[tilespmem:$0x1F800] =	vst v63  }
0x35: {  	_ =	swait.ge [sflag:s16], $0x2800  }
0x36: {  	[sflag:s16] =	ssyncset.done $0x0  }
0x37: {  	[sflag:s16] =	ssyncadd.s32 $0xFFFFD800  }
0x38: {  	[tilespmem:s18], [sflag:$0x2] =	stream.linear.gather [hbm4b:s12+s22], $0x2800, $0x38;
	[tilespmem:$0x1F800] =	vst v63  }
0x39: {  	_ =	swait.ge [sflag:s16], $0x2800  }
0x3a: {  	[sflag:s16] =	ssyncset.done $0x0  }
0x3b: {  	[sflag:s16] =	ssyncadd.s32 $0xFFFFD800  }
0x3c: {  	[bflag:$0x0] =	sbarrier.arrive $0xFFFF  }
.LBB2_4:
0x3d: {  	s23 =	sshll.u32 s22, $0x7  }
0x3e: {  	[tilespmem:s15], [sflag:$0x1] =	stream.indirect.gather [hbm4b:s4+s19], $0x80, s23, s19, $0xb8;
	[tilespmem:$0x1F800] =	vst v63  }
0x3f: {  	_ =	swait.ge [sflag:s20], $0x4000  }
0x40: {  	s25 =	sadd.s32 $0x5000, s23;
	[sflag:s20] =	ssyncset.done $0x0  }
0x41: {  	s24 =	simm.s32 $0x7C00;
	v1 =	vmov s25;
	s25 =	simm.s32 $0x0;
	[sflag:s20] =	ssyncadd.s32 $0xFFFFC000  }
.LBB2_5:
0x42: {  	_ = 	snop  }
0x43: {  	v2 =	vmov s24  }
0x44: {  	s26 =	sshll.u32 s25, $0x4  }
0x45: {  	s26 =	sand.u32 $0x3FFFFFF0, s26  }
0x46: {  	v18 =	vld.idx.msk [tilespmem:v1+s26+$0x0 ss:$0x1], $0xffff  }
0x47: {  	s26 =	simm.s32 $0xFFFFFF80  }
0x48: {  	v5 =	vld.idx.msk [tilespmem:v2+s26+$0xFFFFFC80 ss:$0x1], $0xffff  }
0x49: {  	v6 =	vld.idx.msk [tilespmem:v2+s26+$0xFFFFFD00 ss:$0x1], $0xffff;
	_ =	sdelay $0x1  }
0x4a: {  	v3 =	vbroadcast v18, $0x0  }
0x4b: {  	v4 =	vbroadcast v18, $0x1  }
0x4c: {  	v5 =	vmul.f32 v5, v3  }
0x4d: {  	v6 =	vmul.f32 v6, v4  }
0x4e: {  	[tilespmem:v2+s26+$0xFFFFFC80 ss:$0x1] =	vst.idx.msk $0xffff, v5  }
0x4f: {  	[tilespmem:v2+s26+$0xFFFFFD00 ss:$0x1] =	vst.idx.msk $0xffff, v6  }
0x50: {  	v6 =	vld.idx.msk [tilespmem:v2+s26+$0xFFFFFD80 ss:$0x1], $0xffff;
	_ =	sdelay $0x2  }
0x51: {  	v5 =	vbroadcast v18, $0x2;
	_ =	sdelay $0x1  }
0x52: {  	v6 =	vmul.f32 v6, v5;
	_ =	sdelay $0x1  }
0x53: {  	[tilespmem:v2+s26+$0xFFFFFD80 ss:$0x1] =	vst.idx.msk $0xffff, v6  }
0x54: {  	v7 =	vld.idx.msk [tilespmem:v2+s26+$0xFFFFFE00 ss:$0x1], $0xffff;
	_ =	sdelay $0x2  }
0x55: {  	v6 =	vbroadcast v18, $0x3;
	_ =	sdelay $0x1  }
0x56: {  	v7 =	vmul.f32 v7, v6;
	_ =	sdelay $0x1  }
0x57: {  	[tilespmem:v2+s26+$0xFFFFFE00 ss:$0x1] =	vst.idx.msk $0xffff, v7  }
0x58: {  	v8 =	vld.idx.msk [tilespmem:v2+s26+$0xFFFFFE80 ss:$0x1], $0xffff;
	_ =	sdelay $0x2  }
0x59: {  	v7 =	vbroadcast v18, $0x4;
	_ =	sdelay $0x1  }
0x5a: {  	v8 =	vmul.f32 v8, v7;
	_ =	sdelay $0x1  }
0x5b: {  	[tilespmem:v2+s26+$0xFFFFFE80 ss:$0x1] =	vst.idx.msk $0xffff, v8  }
0x5c: {  	v9 =	vld.idx.msk [tilespmem:v2+s26+$0xFFFFFF00 ss:$0x1], $0xffff;
	_ =	sdelay $0x2  }
0x5d: {  	v8 =	vbroadcast v18, $0x5;
	_ =	sdelay $0x1  }
0x5e: {  	v9 =	vmul.f32 v9, v8;
	_ =	sdelay $0x1  }
0x5f: {  	[tilespmem:v2+s26+$0xFFFFFF00 ss:$0x1] =	vst.idx.msk $0xffff, v9  }
0x60: {  	v10 =	vld.idx.msk [tilespmem:v2+s26+$0xFFFFFF80 ss:$0x1], $0xffff;
	_ =	sdelay $0x2  }
0x61: {  	v9 =	vbroadcast v18, $0x6;
	_ =	sdelay $0x1  }
0x62: {  	v10 =	vmul.f32 v10, v9;
	_ =	sdelay $0x1  }
0x63: {  	[tilespmem:v2+s26+$0xFFFFFF80 ss:$0x1] =	vst.idx.msk $0xffff, v10  }
0x64: {  	v11 =	vld.idx.msk [tilespmem:v2+s26+$0x0 ss:$0x1], $0xffff;
	_ =	sdelay $0x2  }
0x65: {  	v10 =	vbroadcast v18, $0x7;
	_ =	sdelay $0x1  }
0x66: {  	v11 =	vmul.f32 v11, v10;
	_ =	sdelay $0x1  }
0x67: {  	[tilespmem:v2+s26+$0x0 ss:$0x1] =	vst.idx.msk $0xffff, v11  }
0x68: {  	v13 =	vld.idx.msk [tilespmem:v2+s26+$0x80 ss:$0x1], $0xffff  }
0x69: {  	v14 =	vld.idx.msk [tilespmem:v2+s26+$0x100 ss:$0x1], $0xffff;
	_ =	sdelay $0x1  }
0x6a: {  	v11 =	vbroadcast v18, $0x8  }
0x6b: {  	v12 =	vbroadcast v18, $0x9  }
0x6c: {  	v13 =	vmul.f32 v13, v11  }
0x6d: {  	v14 =	vmul.f32 v14, v12  }
0x6e: {  	[tilespmem:v2+s26+$0x80 ss:$0x1] =	vst.idx.msk $0xffff, v13  }
0x6f: {  	[tilespmem:v2+s26+$0x100 ss:$0x1] =	vst.idx.msk $0xffff, v14  }
0x70: {  	v14 =	vld.idx.msk [tilespmem:v2+s26+$0x180 ss:$0x1], $0xffff;
	_ =	sdelay $0x2  }
0x71: {  	v13 =	vbroadcast v18, $0xA;
	_ =	sdelay $0x1  }
0x72: {  	v14 =	vmul.f32 v14, v13;
	_ =	sdelay $0x1  }
0x73: {  	[tilespmem:v2+s26+$0x180 ss:$0x1] =	vst.idx.msk $0xffff, v14  }
0x74: {  	v15 =	vld.idx.msk [tilespmem:v2+s26+$0x200 ss:$0x1], $0xffff;
	_ =	sdelay $0x2  }
0x75: {  	v14 =	vbroadcast v18, $0xB;
	_ =	sdelay $0x1  }
0x76: {  	v15 =	vmul.f32 v15, v14;
	_ =	sdelay $0x1  }
0x77: {  	[tilespmem:v2+s26+$0x200 ss:$0x1] =	vst.idx.msk $0xffff, v15  }
0x78: {  	v16 =	vld.idx.msk [tilespmem:v2+s26+$0x280 ss:$0x1], $0xffff;
	_ =	sdelay $0x2  }
0x79: {  	v15 =	vbroadcast v18, $0xC;
	_ =	sdelay $0x1  }
0x7a: {  	v16 =	vmul.f32 v16, v15;
	_ =	sdelay $0x1  }
0x7b: {  	[tilespmem:v2+s26+$0x280 ss:$0x1] =	vst.idx.msk $0xffff, v16  }
0x7c: {  	v17 =	vld.idx.msk [tilespmem:v2+s26+$0x300 ss:$0x1], $0xffff;
	_ =	sdelay $0x2  }
0x7d: {  	v16 =	vbroadcast v18, $0xD;
	_ =	sdelay $0x1  }
0x7e: {  	v17 =	vmul.f32 v17, v16;
	_ =	sdelay $0x1  }
0x7f: {  	[tilespmem:v2+s26+$0x300 ss:$0x1] =	vst.idx.msk $0xffff, v17  }
0x80: {  	v19 =	vld.idx.msk [tilespmem:v2+s26+$0x380 ss:$0x1], $0xffff;
	_ =	sdelay $0x2  }
0x81: {  	v17 =	vbroadcast v18, $0xE;
	_ =	sdelay $0x1  }
0x82: {  	v19 =	vmul.f32 v19, v17;
	_ =	sdelay $0x1  }
0x83: {  	[tilespmem:v2+s26+$0x380 ss:$0x1] =	vst.idx.msk $0xffff, v19  }
0x84: {  	s28 =	simm.s32 $0xFFFFFE40;
	v18 =	vbroadcast v18, $0xF;
	v19 =	vld.idx.msk [tilespmem:v2+s26+$0x400 ss:$0x1], $0xffff  }
.LBB2_6:
0x85: {  	_ =	sdelay $0x3  }
0x86: {  	p0 =	sne.s32 s28, $0xFFFFFFC0;
	s29 =	smov.u32 s28;
	s28 =	sadd.s32 $0x40, s28;
	v19 =	vmul.f32 v19, v18  }
0x87: {  	_ = 	snop  }
0x88: {  	[tilespmem:v2+s26+$0x400 ss:$0x1] =	vst.idx.msk $0xffff, v19;
	s26 =	sshra.s32 s29, $0x2  }
0x89: {  	v19 =	vld.idx.msk [tilespmem:v2+s26+$0xFFFFFC80 ss:$0x1], $0xffff  }
0x8a: {  	v20 =	vld.idx.msk [tilespmem:v2+s26+$0xFFFFFD00 ss:$0x1], $0xffff;
	_ =	sdelay $0x4  }
0x8b: {  	v19 =	vmul.f32 v19, v3  }
0x8c: {  	v20 =	vmul.f32 v20, v4  }
0x8d: {  	[tilespmem:v2+s26+$0xFFFFFC80 ss:$0x1] =	vst.idx.msk $0xffff, v19  }
0x8e: {  	[tilespmem:v2+s26+$0xFFFFFD00 ss:$0x1] =	vst.idx.msk $0xffff, v20  }
0x8f: {  	v19 =	vld.idx.msk [tilespmem:v2+s26+$0xFFFFFD80 ss:$0x1], $0xffff;
	_ =	sdelay $0x5  }
0x90: {  	v19 =	vmul.f32 v19, v5;
	_ =	sdelay $0x1  }
0x91: {  	[tilespmem:v2+s26+$0xFFFFFD80 ss:$0x1] =	vst.idx.msk $0xffff, v19  }
0x92: {  	v19 =	vld.idx.msk [tilespmem:v2+s26+$0xFFFFFE00 ss:$0x1], $0xffff;
	_ =	sdelay $0x5  }
0x93: {  	v19 =	vmul.f32 v19, v6;
	_ =	sdelay $0x1  }
0x94: {  	[tilespmem:v2+s26+$0xFFFFFE00 ss:$0x1] =	vst.idx.msk $0xffff, v19  }
0x95: {  	v19 =	vld.idx.msk [tilespmem:v2+s26+$0xFFFFFE80 ss:$0x1], $0xffff;
	_ =	sdelay $0x5  }
0x96: {  	v19 =	vmul.f32 v19, v7;
	_ =	sdelay $0x1  }
0x97: {  	[tilespmem:v2+s26+$0xFFFFFE80 ss:$0x1] =	vst.idx.msk $0xffff, v19  }
0x98: {  	v19 =	vld.idx.msk [tilespmem:v2+s26+$0xFFFFFF00 ss:$0x1], $0xffff;
	_ =	sdelay $0x5  }
0x99: {  	v19 =	vmul.f32 v19, v8;
	_ =	sdelay $0x1  }
0x9a: {  	[tilespmem:v2+s26+$0xFFFFFF00 ss:$0x1] =	vst.idx.msk $0xffff, v19  }
0x9b: {  	v19 =	vld.idx.msk [tilespmem:v2+s26+$0xFFFFFF80 ss:$0x1], $0xffff;
	_ =	sdelay $0x5  }
0x9c: {  	v19 =	vmul.f32 v19, v9;
	_ =	sdelay $0x1  }
0x9d: {  	[tilespmem:v2+s26+$0xFFFFFF80 ss:$0x1] =	vst.idx.msk $0xffff, v19  }
0x9e: {  	v19 =	vld.idx.msk [tilespmem:v2+s26+$0x0 ss:$0x1], $0xffff;
	_ =	sdelay $0x5  }
0x9f: {  	v19 =	vmul.f32 v19, v10;
	_ =	sdelay $0x1  }
0xa0: {  	[tilespmem:v2+s26+$0x0 ss:$0x1] =	vst.idx.msk $0xffff, v19  }
0xa1: {  	v19 =	vld.idx.msk [tilespmem:v2+s26+$0x80 ss:$0x1], $0xffff  }
0xa2: {  	v20 =	vld.idx.msk [tilespmem:v2+s26+$0x100 ss:$0x1], $0xffff;
	_ =	sdelay $0x4  }
0xa3: {  	v19 =	vmul.f32 v19, v11  }
0xa4: {  	v20 =	vmul.f32 v20, v12  }
0xa5: {  	[tilespmem:v2+s26+$0x80 ss:$0x1] =	vst.idx.msk $0xffff, v19  }
0xa6: {  	[tilespmem:v2+s26+$0x100 ss:$0x1] =	vst.idx.msk $0xffff, v20  }
0xa7: {  	v19 =	vld.idx.msk [tilespmem:v2+s26+$0x180 ss:$0x1], $0xffff;
	_ =	sdelay $0x5  }
0xa8: {  	v19 =	vmul.f32 v19, v13;
	_ =	sdelay $0x1  }
0xa9: {  	[tilespmem:v2+s26+$0x180 ss:$0x1] =	vst.idx.msk $0xffff, v19  }
0xaa: {  	v19 =	vld.idx.msk [tilespmem:v2+s26+$0x200 ss:$0x1], $0xffff;
	_ =	sdelay $0x5  }
0xab: {  	v19 =	vmul.f32 v19, v14;
	_ =	sdelay $0x1  }
0xac: {  	[tilespmem:v2+s26+$0x200 ss:$0x1] =	vst.idx.msk $0xffff, v19  }
0xad: {  	v19 =	vld.idx.msk [tilespmem:v2+s26+$0x280 ss:$0x1], $0xffff;
	_ =	sdelay $0x5  }
0xae: {  	v19 =	vmul.f32 v19, v15;
	_ =	sdelay $0x1  }
0xaf: {  	[tilespmem:v2+s26+$0x280 ss:$0x1] =	vst.idx.msk $0xffff, v19  }
0xb0: {  	v19 =	vld.idx.msk [tilespmem:v2+s26+$0x300 ss:$0x1], $0xffff;
	_ =	sdelay $0x5  }
0xb1: {  	v19 =	vmul.f32 v19, v16;
	_ =	sdelay $0x1  }
0xb2: {  	[tilespmem:v2+s26+$0x300 ss:$0x1] =	vst.idx.msk $0xffff, v19  }
0xb3: {  	v19 =	vld.idx.msk [tilespmem:v2+s26+$0x380 ss:$0x1], $0xffff;
	_ =	sdelay $0x4  }
.Ltmp1:
0xb4: {  	(pc) =	sbr.rel @p0 .LBB2_6-.Ltmp1, $3  }
0xb5: {  	v19 =	vmul.f32 v19, v17;
	_ =	sdelay $0x1  }
0xb6: {  	[tilespmem:v2+s26+$0x380 ss:$0x1] =	vst.idx.msk $0xffff, v19  }
0xb7: {  	v19 =	vld.idx.msk [tilespmem:v2+s26+$0x400 ss:$0x1], $0xffff  }
0xb8: {  	s25 =	sadd.s32 $0x1, s25  }
0xb9: {  	p0 =	sne.s32 s25, $0x8  }
.Ltmp2:
0xba: {  	_ = 	snop;
	(pc) =	sbr.rel @p0 .LBB2_5-.Ltmp2, $3  }
0xbb: {  	_ = 	snop  }
0xbc: {  	v3 =	vmul.f32 v19, v18;
	_ =	sdelay $0x1  }
0xbd: {  	s24 =	sadd.s32 $0x800, s24;
	[tilespmem:v2+s26+$0x400 ss:$0x1] =	vst.idx.msk $0xffff, v3  }
0xbe: {  	s22 =	sadd.s32 $0x1, s22  }
0xbf: {  	p0 =	sne.s32 s22, $0x50  }
.Ltmp3:
0xc0: {  	s23 =	sadd.s32 $0x2800, s23;
	(pc) =	sbr.rel @p0 .LBB2_4-.Ltmp3, $4  }
0xc1: {  	[spmem:s2] =	stream.indirect.scatter.add.f32 [tilespmem:s15], [sflag:$0x2], $0x80, s23, s19, $0xb8;
	[tilespmem:$0x1F800] =	vst v63  }
0xc2: {  	_ =	swait.ge [sflag:s16], $0x4000  }
0xc3: {  	[sflag:s16] =	ssyncset.done $0x0  }
0xc4: {  	[sflag:s16] =	ssyncadd.s32 $0xFFFFC000  }
0xc5: {  	s21 =	sadd.s32 $0x1, s21  }
0xc6: {  	s22 =	sshll.u32 s0, $0x6;
	[bflag:$0x0] =	sbarrier.arrive $0xFFFF;
	p0 =	sne.s32 s21, s14  }
.Ltmp4:
0xc7: {  	s23 =	sshrl.u32 s5, $0x3;
	s22 =	sor.u32 $0x1C02, s22;
	(pc) =	sbr.rel @p0 .LBB2_1-.Ltmp4, $4  }
0xc8: {  	[hbm:s13], [sflag:s22] =	dma.local [spmem:s23], $0x2800  }
0xc9: {  	_ =	swait.ge [sflag:s16], $0x2800  }
0xca: {  	[sflag:s16] =	ssyncset.done $0x0  }
0xcb: {  	[sflag:s16] =	ssyncadd.s32 $0xFFFFD800  }
0xcc: {  	_ =	sfence.sel $0x180000  }
0xcd: {  	[bflag:$0x0] =	sbarrier.arrive $0xFFFF  }
0xce: {  	p0 =	sne.s32 s0, $0x0;
	_ =	strace $0x90000047  }
0xcf: {  	s0 =	sadd.s32 @!p0 $0x100000, s1;
	[bflag:$0x2] =	sbarrier.arrive $0xFFFF  }
0xd0: {  	[sflag:s0] =	ssyncadd.tile.s32 @!p0 $0x1;
	_ =	shalt  }
.Lfunc_end2:
_tile_overlayer_lowered:
.L_overlay_start_2:
0xd1: {  	(tag) =	ssettag $0x2  }
0xd2: {  	s0 =	rddreg [dreg:$0x0];
	s2 =	stileid.u32  }
0xd3: {  	s1 =	rddreg [dreg:$0x1];
	p0 =	sne.s32 s2, $0x0  }
0xd4: {  	s3 =	rddreg [dreg:$0x2];
	[bflag:$0x3] =	sbarrier.arrive $0xFFFF;
	s2 =	simm.s32 @!p0 $0x1C02  }
0xd5: {  	[timem:s3], [sflag:s2] =	dma.local @!p0 [hbm:s0], s1  }
0xd6: {  	s0 =	simm.s32 @!p0 $0x2  }
0xd7: {  	_ =	swait.ge @!p0 [sflag:s0], s1  }
0xd8: {  	s1 =	ssub.s32 @!p0 $0x0, s1;
	[sflag:s0] =	ssyncset.done @!p0 $0x0  }
0xd9: {  	[sflag:s0] =	ssyncadd.s32 @!p0 s1  }
0xda: {  	[bflag:$0x3] =	sbarrier.arrive $0xFFFF  }
0xdb: {  	_ =	shalt  }

// kernel: kernel.9.cloned.1.call-start
scs
__scs_entry_jumppad:
0x0: {  	(pc) =	sbr.rel $0x88, $3  }
0x1: {  	(tag) =	ssettag $0x0;
	lr =	simm.s32 $0x1  }
0x2: {  	[smem:$0x3F9D] =	sst lr;
	_ =	strace $0xD0000000  }
0x3: {  	_ = 	snop  }
0x4: {  	_ = 	snop  }
0x5: {  	_ = 	snop  }
0x6: {  	_ = 	snop  }
0x7: {  	_ = 	snop  }
__scs_overlays_trampoline_lowered:
0x8: {  	[smem:$0x3FAC] =	sst s0  }
0x9: {  	[smem:$0x3FAD] =	sst s1  }
0xa: {  	[smem:$0x3FAE] =	sst s2  }
0xb: {  	[smem:$0x3FAF] =	sst s3  }
0xc: {  	[smem:$0x3FB0] =	sst s4  }
0xd: {  	[smem:$0x3FB1] =	sst s5  }
0xe: {  	[smem:$0x3FB2] =	sst s6  }
0xf: {  	[smem:$0x3FB3] =	sst s7  }
0x10: {  	[smem:$0x3FB4] =	sst s8  }
0x11: {  	[smem:$0x3FB5] =	sst s9;
	s0 =	simm.s32 @!p0 $0x0  }
0x12: {  	s1 =	sld [smem:$0x3F9B];
	s0 =	simm.s32 @p0 $0x1  }
0x13: {  	[smem:$0x3FB6] =	sst s0;
	s0 =	simm.s32 @!p1 $0x0  }
0x14: {  	s2 =	sld [smem:$0x3F9A];
	s0 =	simm.s32 @p1 $0x1  }
0x15: {  	[smem:$0x3FB7] =	sst s0;
	s0 =	simm.s32 @!p2 $0x0  }
0x16: {  	s3 =	sld [smem:$0x3FDB];
	s0 =	simm.s32 @p2 $0x1  }
0x17: {  	s4 =	simm.s32 $0x1BF5;
	[smem:$0x3FB9] =	sst s0  }
0x18: {  	s0 =	sld [smem:$0x3F9C];
	_ =	swait.ge [sflag:s4], $0x0  }
0x19: {  	s7 =	sld [smem:$0x3F9D]  }
0x1a: {  	s8 =	sadd.s32 $0xFFFFE003, lr  }
0x1b: {  	s9 =	sadd.s32 $0xFFFFFEF7, lr;
	s5 =	simm.s32 $0xFFFFFFFF;
	p2 =	slt.u32 s8, $0xFFFFF086  }
0x1c: {  	p1 =	slt.u32 s9, $0xF7A;
	s5 =	simm.s32 @!p2 $0x0  }
0x1d: {  	s5 =	simm.s32 @p1 $0x1;
	p0 =	seq.s32 s7, s2  }
0x1e: {  	s7 =	smul.u32 @!p0 $0xF7A, s2;
	p2 =	seq.s32 @!p0 s5, $0x0  }
0x1f: {  	s9 =	smul.u32 $0xF7A, s1;
	s8 =	simm.s32 @!p0 $0x1BF5;
	p2 =	por !p2, p0  }
0x20: {  	[sflag:s8] =	ssyncset.s32 @!p0 $0xFFFFF086;
	s6 =	sadd.s32 @!p0 s3, s7;
	s7 =	simm.s32 @!p0 $0x108  }
0x21: {  	s3 =	sadd.s32 s3, s9;
	s6 =	sadd.s32 @!p0 $0x88, s6;
	s7 =	simm.s32 @p2 $0x1082  }
0x22: {  	[simem:s7], [sflag:s8] =	dma.local @!p0 [hbm:s6], $0xF7A  }
0x23: {  	s9 =	sor.u32 $0xD0000000, s2;
	s6 =	simm.s32 $0x108;
	_ =	swait.ge @!p0 [sflag:s8], $0x0  }
0x24: {  	s3 =	sadd.s32 $0x88, s3;
	s6 =	simm.s32 @!p1 $0x1082;
	[sflag:s4] =	ssyncset.s32 $0xFFFFF086  }
0x25: {  	[simem:s6], [sflag:s4] =	dma.local [hbm:s3], $0xF7A  }
0x26: {  	[smem:$0x3F9D] =	sst s1;
	(tag) =	ssettag s2;
	_ =	strace s9  }
0x27: {  	s1 =	sld [smem:$0x3FAD]  }
0x28: {  	s2 =	sld [smem:$0x3FAE]  }
0x29: {  	s4 =	sld [smem:$0x3FB0]  }
0x2a: {  	p0 =	seq.s32 s5, $0x0;
	s5 =	sld [smem:$0x3FB1]  }
0x2b: {  	s6 =	sld [smem:$0x3FB2]  }
0x2c: {  	s7 =	sld [smem:$0x3FB3]  }
0x2d: {  	s3 =	simm.s32 $0x108;
	s8 =	sld [smem:$0x3FB4]  }
0x2e: {  	s3 =	simm.s32 @!p0 $0x1082;
	s9 =	sld [smem:$0x3FB5]  }
0x2f: {  	lr =	sadd.s32 s0, s3;
	s0 =	sld [smem:$0x3FAC]  }
0x30: {  	s3 =	sld [smem:$0x3FAF]  }
0x31: {  	[smem:$0x3FB8] =	sst s10  }
0x32: {  	s10 =	sld [smem:$0x3FB6];
	_ =	sdelay $0x3  }
0x33: {  	p0 =	seq.s32 s10, $0x1;
	s10 =	sld [smem:$0x3FB8];
	_ =	sdelay $0x3  }
0x34: {  	[smem:$0x3FB8] =	sst s10  }
0x35: {  	s10 =	sld [smem:$0x3FB7];
	_ =	sdelay $0x3  }
0x36: {  	p1 =	seq.s32 s10, $0x1;
	s10 =	sld [smem:$0x3FB8];
	_ =	sdelay $0x3  }
0x37: {  	[smem:$0x3FB8] =	sst s10  }
0x38: {  	s10 =	sld [smem:$0x3FB9]  }
0x39: {  	_ = 	snop;
	(pc) =	sbr.ind lr, $3  }
0x3a: {  	_ = 	snop  }
0x3b: {  	_ = 	snop  }
0x3c: {  	p2 =	seq.s32 s10, $0x1;
	s10 =	sld [smem:$0x3FB8]  }
0x3d: {  	_ =	shalt  }
0x3e: {  	_ =	shalt  }
0x3f: {  	_ =	shalt  }
0x40: {  	_ =	shalt  }
0x41: {  	_ =	shalt  }
0x42: {  	_ =	shalt  }
0x43: {  	_ =	shalt  }
0x44: {  	_ =	shalt  }
0x45: {  	_ =	shalt  }
0x46: {  	_ =	shalt  }
0x47: {  	_ =	shalt  }
0x48: {  	_ =	shalt  }
0x49: {  	_ =	shalt  }
0x4a: {  	_ =	shalt  }
0x4b: {  	_ =	shalt  }
0x4c: {  	_ =	shalt  }
0x4d: {  	_ =	shalt  }
0x4e: {  	_ =	shalt  }
0x4f: {  	_ =	shalt  }
0x50: {  	_ =	shalt  }
0x51: {  	_ =	shalt  }
0x52: {  	_ =	shalt  }
0x53: {  	_ =	shalt  }
0x54: {  	_ =	shalt  }
0x55: {  	_ =	shalt  }
0x56: {  	_ =	shalt  }
0x57: {  	_ =	shalt  }
0x58: {  	_ =	shalt  }
0x59: {  	_ =	shalt  }
0x5a: {  	_ =	shalt  }
0x5b: {  	_ =	shalt  }
0x5c: {  	_ =	shalt  }
0x5d: {  	_ =	shalt  }
0x5e: {  	_ =	shalt  }
0x5f: {  	_ =	shalt  }
0x60: {  	_ =	shalt  }
0x61: {  	_ =	shalt  }
0x62: {  	_ =	shalt  }
0x63: {  	_ =	shalt  }
0x64: {  	_ =	shalt  }
0x65: {  	_ =	shalt  }
0x66: {  	_ =	shalt  }
0x67: {  	_ =	shalt  }
0x68: {  	_ =	shalt  }
0x69: {  	_ =	shalt  }
0x6a: {  	_ =	shalt  }
0x6b: {  	_ =	shalt  }
0x6c: {  	_ =	shalt  }
0x6d: {  	_ =	shalt  }
0x6e: {  	_ =	shalt  }
0x6f: {  	_ =	shalt  }
0x70: {  	_ =	shalt  }
0x71: {  	_ =	shalt  }
0x72: {  	_ =	shalt  }
0x73: {  	_ =	shalt  }
0x74: {  	_ =	shalt  }
0x75: {  	_ =	shalt  }
0x76: {  	_ =	shalt  }
0x77: {  	_ =	shalt  }
0x78: {  	_ =	shalt  }
0x79: {  	_ =	shalt  }
0x7a: {  	_ =	shalt  }
0x7b: {  	_ =	shalt  }
0x7c: {  	_ =	shalt  }
0x7d: {  	_ =	shalt  }
0x7e: {  	_ =	shalt  }
0x7f: {  	_ =	shalt  }
0x80: {  	_ =	shalt  }
0x81: {  	_ =	shalt  }
0x82: {  	_ =	shalt  }
0x83: {  	_ =	shalt  }
0x84: {  	_ =	shalt  }
0x85: {  	_ =	shalt  }
0x86: {  	_ =	shalt  }
0x87: {  	_ =	shalt  }
.Lfunc_end0:
.L_simem_size_0:
called_computation.1_lowered:
.L_overlay_start_0:
0x88: {  	s2 =	sld [smem:$0x3FD9]  }
0x89: {  	s3 =	sld [smem:$0x3FFE];
	_ =	sdelay $0x1  }
0x8a: {  	s1 =	srdreg.scid  }
0x8b: {  	s0 =	sand.u32 $0x1, s1  }
0x8c: {  	s17 =	sshll.u32 s0, $0xA;
	s2 =	sadd.s32 s3, s2  }
0x8d: {  	s2 =	sadd.s32 s2, s17  }
0x8e: {  	[smem:$0x3FC4] =	sst s2  }
0x8f: {  	_ = 	snop  }
0x90: {  	s2 =	sld [smem:$0x3FD0];
	(tm) =	ssettm $0x1  }
0x91: {  	s18 =	sld [smem:$0x3FFB];
	_ =	sdelay $0x3  }
0x92: {  	_ =	strace s18  }
0x93: {  	s3 =	sld [smem:$0x3FFC];
	_ =	sdelay $0x3  }
0x94: {  	_ =	strace s3  }
0x95: {  	s3 =	sld [smem:$0x3FFD];
	_ =	sdelay $0x3  }
0x96: {  	_ =	strace s3  }
0x97: {  	_ =	strace $0x8FFFFFFF  }
0x98: {  	s19 =	sld [smem:$0x3FDB];
	_ =	sdelay $0x1  }
0x99: {  	s4 =	simm.s32 $_scs_section_size  }
0x9a: {  	s5 =	simm.s32 $_size__tile_overlayer_lowered;
	s6 =	simm.s32 $_tile_overlayer_lowered  }
0x9b: {  	s22 =	simm.s32 $0x1BFF;
	s21 =	sshll.u32 s6, $0x1;
	s3 =	sadd.s32 s4, s19  }
0x9c: {  	s7 =	simm.s32 $0x0;
	s20 =	sshll.u32 s5, $0x1;
	s5 =	sadd.s32 s21, s3  }
0x9d: {  	[timem:s7], [sflag:s22] =	dma.local [hbm:s5], s20  }
0x9e: {  	_ =	swait.ge [sflag:s22], s20  }
0x9f: {  	s4 =	ssub.s32 $0x0, s20;
	[sflag:s22] =	ssyncset.done $0x0  }
0xa0: {  	[sflag:s22] =	ssyncadd.s32 s4;
	_ =	sdelay $0x1  }
0xa1: {  	s23 =	simm.s32 $0x1B8B  }
0xa2: {  	_ =	swait.ge [sflag:s23], $0x1  }
0xa3: {  	[sflag:s23] =	ssyncset.done $0x0  }
0xa4: {  	s25 =	simm.s32 $0x1B8E;
	s24 =	sld [smem:$0x3FFE];
	[sflag:s23] =	ssyncadd.s32 $0xFFFFFFFF  }
0xa5: {  	s26 =	simm.s32 $execute0_lowered;
	[smem:$0x3FD2] =	sst s25  }
0xa6: {  	s5 =	sshll.u32 s26, $0x1;
	_ =	strace $0x80000049;
	[dreg:$0x1] =	wrdreg $0xFFFFFFFF  }
0xa7: {  	s28 =	simm.s32 $_size_execute0_lowered;
	s3 =	sadd.s32 s3, s5;
	[dreg:$0x0] =	wrdreg $0x0  }
0xa8: {  	s5 =	sshll.u32 s28, $0x1;
	[dreg:$0x2] =	wrdreg s3  }
0xa9: {  	[dreg:$0x3] =	wrdreg s5  }
0xaa: {  	[dreg:$0x4] =	wrdreg $0xC0  }
0xab: {  	_ =	task [dreg:s7], $0x5FFFF  }
0xac: {  	[dreg:$0x1] =	wrdreg $0xFFFFFFFF  }
0xad: {  	[dreg:$0x0] =	wrdreg $0x60  }
0xae: {  	[dreg:$0x2] =	wrdreg s24  }
0xaf: {  	[dreg:$0x3] =	wrdreg s2  }
0xb0: {  	[dreg:$0x4] =	wrdreg $0xB8000  }
0xb1: {  	[dreg:$0x5] =	wrdreg $0x9  }
0xb2: {  	_ =	task.clear_ibuf [dreg:s7], $0x6FFFF;
	_ =	strace $0x90000049  }
0xb3: {  	s29 =	simm.s32 $0x9;
	_ =	strace $0x8000004B  }
0xb4: {  	_ =	swait.ge [sflag:s29], $0x1  }
0xb5: {  	[sflag:s29] =	ssyncadd.s32 $0xFFFFFFFF  }
0xb6: {  	_ =	strace $0x9000004B  }
0xb7: {  	_ =	sfence  }
0xb8: {  	s30 =	sld [smem:$0x0];
	_ =	sdelay $0x2  }
0xb9: {  	s31 =	sshll.u32 s1, $0xD;
	s1 =	sshrl.u32 s1, $0x2  }
0xba: {  	s3 =	sand.u32 $0x4000, s31;
	s1 =	sadd.s32 s1, s30  }
0xbb: {  	s0 =	sor.u32 s3, s0;
	s1 =	sshll.u32 s1, $0x11  }
0xbc: {  	s0 =	sor.u32 s1, s0  }
0xbd: {  	s0 =	sadd.s32 $0x8F2B, s0  }
0xbe: {  	[sflag:s0] =	ssyncadd.remote.s32 $0x1  }
0xbf: {  	_ =	sfence.sel $0xFFFF  }
0xc0: {  	[dreg:$0x0] =	wrdreg $0xFFFFFFFF;
	(pc) =	sbr.abs _section_cstart, $3  }
0xc1: {  	[dreg:$0x1] =	wrdreg $0xFFFFFFFF  }
0xc2: {  	_ =	task.clear_ibuf [dreg:s7], $0x2FFFF;
	_ =	strace $0x9FFFFFFF  }
0xc3: {  	(tm) =	ssettm $0x7FFFFFFF  }
tec
execute0_lowered:
.L_overlay_start_1:
0x0: {  	(tag) =	ssettag $0x1  }
0x1: {  	s6 =	rddreg [dreg:$0x0]  }
0x2: {  	s10 =	rddreg [dreg:$0x1]  }
0x3: {  	s0 =	srdreg.scid;
	s2 =	rddreg [dreg:$0x2]  }
0x4: {  	s1 =	rddreg [dreg:$0x3];
	s3 =	simm.s32 $0x0;
	s5 =	sand.u32 $0x1, s0  }
0x5: {  	s15 =	simm.s32 $0x7800;
	s0 =	stileid.u32;
	s4 =	smul.u32 $0x28000, s5  }
0x6: {  	s16 =	simm.s32 $0x2;
	s17 =	simm.s32 $0x2800;
	s7 =	smul.u32 $0x2800, s0  }
0x7: {  	s18 =	simm.s32 $0x5000;
	s19 =	simm.s32 $0x80;
	s8 =	smul.u32 $0x140000, s5  }
0x8: {  	s20 =	simm.s32 $0x1;
	s21 =	simm.s32 $0x0;
	s28 =	smul.u32 $0x14000, s0  }
0x9: {  	[smem:$0x7FF] =	sst s3;
	s9 =	smul.u32 $0x50000, s0;
	s29 =	ssub.s32 $0x2, s5  }
0xa: {  	_ =	strace $0x8000004A;
	s31 =	sshrl.u32 s29, $0x1;
	s4 =	sadd.s32 s7, s4  }
0xb: {  	s7 =	sadd.s32 s28, s8;
	s30 =	sshrl.u32 s9, $0x2;
	s14 =	ssub.s32 s29, s31  }
0xc: {  	s11 =	sshrl.u32 s4, $0x3;
	s4 =	sadd.s32 $0x3DA00, s6;
	s7 =	sshrl.u32 s7, $0x3  }
0xd: {  	s5 =	sadd.s32 s30, s2;
	s14 =	smax.u32 s14, $0x1;
	s12 =	sadd.s32 s11, s6  }
0xe: {  	s13 =	sadd.s32 s7, s6;
	s6 =	sadd.s32 $0x4000, s5;
	s7 =	sadd.s32 $0x8000, s5  }
0xf: {  	s8 =	sadd.s32 $0xC000, s5;
	s9 =	sadd.s32 $0x10000, s5;
	s10 =	sadd.s32 s10, s11  }
0x10: {  	v0 =	vimm.f32 $0.0e+00;
	s11 =	sadd.s32 $0xBA00, s12;
	s12 =	sadd.s32 $0x1A00, s12;
	s13 =	sadd.s32 $0x65A00, s13  }
.LBB2_1:
0x11: {  	s22 =	sand.u32 $0xFE00, s3  }
0x12: {  	s23 =	sand.u32 $0x70, s3;
	s24 =	sshrl.u32 s22, $0x2  }
0x13: {  	s22 =	simm.s32 $0x40;
	s24 =	sor.u32 s23, s24;
	s23 =	simm.s32 $0x0  }
.LBB2_2:
0x14: {  	p0 =	sne.s32 s22, $0xFFC0  }
0x15: {  	[tilespmem:s24+$0x7800] =	vst v0;
	s23 =	sadd.s32 $0x10, s23;
	s24 =	smov.u32 s22;
	s22 =	sadd.s32 $0x40, s22  }
.Ltmp0:
0x16: {  	(pc) =	sbr.rel @p0 .LBB2_2-.Ltmp0, $4  }
0x17: {  	_ = 	snop  }
0x18: {  	s24 =	sand.u32 $0xFE00, s24  }
0x19: {  	s25 =	sand.u32 $0x70, s23;
	s24 =	sshrl.u32 s24, $0x2  }
0x1a: {  	s24 =	sor.u32 s25, s24  }
0x1b: {  	[tilespmem:s24+$0x7800] =	vst v0  }
0x1c: {  	[spmem:s5] =	stream.linear.scatter [tilespmem:s15], [sflag:$0x2], $0x4000, $0x38;
	[tilespmem:$0x1F800] =	vst v63  }
0x1d: {  	_ =	swait.ge [sflag:s16], $0x4000  }
0x1e: {  	[sflag:s16] =	ssyncset.done $0x0  }
0x1f: {  	[sflag:s16] =	ssyncadd.s32 $0xFFFFC000  }
0x20: {  	[spmem:s6] =	stream.linear.scatter [tilespmem:s15], [sflag:$0x2], $0x4000, $0x38;
	[tilespmem:$0x1F800] =	vst v63  }
0x21: {  	_ =	swait.ge [sflag:s16], $0x4000  }
0x22: {  	[sflag:s16] =	ssyncset.done $0x0  }
0x23: {  	[sflag:s16] =	ssyncadd.s32 $0xFFFFC000  }
0x24: {  	[spmem:s7] =	stream.linear.scatter [tilespmem:s15], [sflag:$0x2], $0x4000, $0x38;
	[tilespmem:$0x1F800] =	vst v63  }
0x25: {  	_ =	swait.ge [sflag:s16], $0x4000  }
0x26: {  	[sflag:s16] =	ssyncset.done $0x0  }
0x27: {  	[sflag:s16] =	ssyncadd.s32 $0xFFFFC000  }
0x28: {  	[spmem:s8] =	stream.linear.scatter [tilespmem:s15], [sflag:$0x2], $0x4000, $0x38;
	[tilespmem:$0x1F800] =	vst v63  }
0x29: {  	_ =	swait.ge [sflag:s16], $0x4000  }
0x2a: {  	[sflag:s16] =	ssyncset.done $0x0  }
0x2b: {  	[sflag:s16] =	ssyncadd.s32 $0xFFFFC000  }
0x2c: {  	[spmem:s9] =	stream.linear.scatter [tilespmem:s15], [sflag:$0x2], $0x4000, $0x38;
	[tilespmem:$0x1F800] =	vst v63  }
0x2d: {  	_ =	swait.ge [sflag:s16], $0x4000  }
0x2e: {  	[sflag:s16] =	ssyncset.done $0x0  }
0x2f: {  	s22 =	simm.s32 $0x0;
	[sflag:s16] =	ssyncadd.s32 $0xFFFFC000  }
0x30: {  	[tilespmem:s22], [sflag:$0x2] =	stream.linear.gather [hbm4b:s10+s22], $0x2800, $0x38;
	[tilespmem:$0x1F800] =	vst v63  }
0x31: {  	_ =	swait.ge [sflag:s16], $0x2800  }
0x32: {  	[sflag:s16] =	ssyncset.done $0x0  }
0x33: {  	[sflag:s16] =	ssyncadd.s32 $0xFFFFD800  }
0x34: {  	[tilespmem:s17], [sflag:$0x2] =	stream.linear.gather [hbm4b:s11+s22], $0x2800, $0x38;
	[tilespmem:$0x1F800] =	vst v63  }
0x35: {  	_ =	swait.ge [sflag:s16], $0x2800  }
0x36: {  	[sflag:s16] =	ssyncset.done $0x0  }
0x37: {  	[sflag:s16] =	ssyncadd.s32 $0xFFFFD800  }
0x38: {  	[tilespmem:s18], [sflag:$0x2] =	stream.linear.gather [hbm4b:s12+s22], $0x2800, $0x38;
	[tilespmem:$0x1F800] =	vst v63  }
0x39: {  	_ =	swait.ge [sflag:s16], $0x2800  }
0x3a: {  	[sflag:s16] =	ssyncset.done $0x0  }
0x3b: {  	[sflag:s16] =	ssyncadd.s32 $0xFFFFD800  }
0x3c: {  	[bflag:$0x0] =	sbarrier.arrive $0xFFFF  }
.LBB2_4:
0x3d: {  	s23 =	sshll.u32 s22, $0x7  }
0x3e: {  	[tilespmem:s15], [sflag:$0x1] =	stream.indirect.gather [hbm4b:s4+s19], $0x80, s23, s19, $0xb8;
	[tilespmem:$0x1F800] =	vst v63  }
0x3f: {  	_ =	swait.ge [sflag:s20], $0x4000  }
0x40: {  	s25 =	sadd.s32 $0x5000, s23;
	[sflag:s20] =	ssyncset.done $0x0  }
0x41: {  	s24 =	simm.s32 $0x7C00;
	v1 =	vmov s25;
	s25 =	simm.s32 $0x0;
	[sflag:s20] =	ssyncadd.s32 $0xFFFFC000  }
.LBB2_5:
0x42: {  	_ = 	snop  }
0x43: {  	v2 =	vmov s24  }
0x44: {  	s26 =	sshll.u32 s25, $0x4  }
0x45: {  	s26 =	sand.u32 $0x3FFFFFF0, s26  }
0x46: {  	v18 =	vld.idx.msk [tilespmem:v1+s26+$0x0 ss:$0x1], $0xffff  }
0x47: {  	s26 =	simm.s32 $0xFFFFFF80  }
0x48: {  	v5 =	vld.idx.msk [tilespmem:v2+s26+$0xFFFFFC80 ss:$0x1], $0xffff  }
0x49: {  	v6 =	vld.idx.msk [tilespmem:v2+s26+$0xFFFFFD00 ss:$0x1], $0xffff;
	_ =	sdelay $0x1  }
0x4a: {  	v3 =	vbroadcast v18, $0x0  }
0x4b: {  	v4 =	vbroadcast v18, $0x1  }
0x4c: {  	v5 =	vmul.f32 v5, v3  }
0x4d: {  	v6 =	vmul.f32 v6, v4  }
0x4e: {  	[tilespmem:v2+s26+$0xFFFFFC80 ss:$0x1] =	vst.idx.msk $0xffff, v5  }
0x4f: {  	[tilespmem:v2+s26+$0xFFFFFD00 ss:$0x1] =	vst.idx.msk $0xffff, v6  }
0x50: {  	v6 =	vld.idx.msk [tilespmem:v2+s26+$0xFFFFFD80 ss:$0x1], $0xffff;
	_ =	sdelay $0x2  }
0x51: {  	v5 =	vbroadcast v18, $0x2;
	_ =	sdelay $0x1  }
0x52: {  	v6 =	vmul.f32 v6, v5;
	_ =	sdelay $0x1  }
0x53: {  	[tilespmem:v2+s26+$0xFFFFFD80 ss:$0x1] =	vst.idx.msk $0xffff, v6  }
0x54: {  	v7 =	vld.idx.msk [tilespmem:v2+s26+$0xFFFFFE00 ss:$0x1], $0xffff;
	_ =	sdelay $0x2  }
0x55: {  	v6 =	vbroadcast v18, $0x3;
	_ =	sdelay $0x1  }
0x56: {  	v7 =	vmul.f32 v7, v6;
	_ =	sdelay $0x1  }
0x57: {  	[tilespmem:v2+s26+$0xFFFFFE00 ss:$0x1] =	vst.idx.msk $0xffff, v7  }
0x58: {  	v8 =	vld.idx.msk [tilespmem:v2+s26+$0xFFFFFE80 ss:$0x1], $0xffff;
	_ =	sdelay $0x2  }
0x59: {  	v7 =	vbroadcast v18, $0x4;
	_ =	sdelay $0x1  }
0x5a: {  	v8 =	vmul.f32 v8, v7;
	_ =	sdelay $0x1  }
0x5b: {  	[tilespmem:v2+s26+$0xFFFFFE80 ss:$0x1] =	vst.idx.msk $0xffff, v8  }
0x5c: {  	v9 =	vld.idx.msk [tilespmem:v2+s26+$0xFFFFFF00 ss:$0x1], $0xffff;
	_ =	sdelay $0x2  }
0x5d: {  	v8 =	vbroadcast v18, $0x5;
	_ =	sdelay $0x1  }
0x5e: {  	v9 =	vmul.f32 v9, v8;
	_ =	sdelay $0x1  }
0x5f: {  	[tilespmem:v2+s26+$0xFFFFFF00 ss:$0x1] =	vst.idx.msk $0xffff, v9  }
0x60: {  	v10 =	vld.idx.msk [tilespmem:v2+s26+$0xFFFFFF80 ss:$0x1], $0xffff;
	_ =	sdelay $0x2  }
0x61: {  	v9 =	vbroadcast v18, $0x6;
	_ =	sdelay $0x1  }
0x62: {  	v10 =	vmul.f32 v10, v9;
	_ =	sdelay $0x1  }
0x63: {  	[tilespmem:v2+s26+$0xFFFFFF80 ss:$0x1] =	vst.idx.msk $0xffff, v10  }
0x64: {  	v11 =	vld.idx.msk [tilespmem:v2+s26+$0x0 ss:$0x1], $0xffff;
	_ =	sdelay $0x2  }
0x65: {  	v10 =	vbroadcast v18, $0x7;
	_ =	sdelay $0x1  }
0x66: {  	v11 =	vmul.f32 v11, v10;
	_ =	sdelay $0x1  }
0x67: {  	[tilespmem:v2+s26+$0x0 ss:$0x1] =	vst.idx.msk $0xffff, v11  }
0x68: {  	v13 =	vld.idx.msk [tilespmem:v2+s26+$0x80 ss:$0x1], $0xffff  }
0x69: {  	v14 =	vld.idx.msk [tilespmem:v2+s26+$0x100 ss:$0x1], $0xffff;
	_ =	sdelay $0x1  }
0x6a: {  	v11 =	vbroadcast v18, $0x8  }
0x6b: {  	v12 =	vbroadcast v18, $0x9  }
0x6c: {  	v13 =	vmul.f32 v13, v11  }
0x6d: {  	v14 =	vmul.f32 v14, v12  }
0x6e: {  	[tilespmem:v2+s26+$0x80 ss:$0x1] =	vst.idx.msk $0xffff, v13  }
0x6f: {  	[tilespmem:v2+s26+$0x100 ss:$0x1] =	vst.idx.msk $0xffff, v14  }
0x70: {  	v14 =	vld.idx.msk [tilespmem:v2+s26+$0x180 ss:$0x1], $0xffff;
	_ =	sdelay $0x2  }
0x71: {  	v13 =	vbroadcast v18, $0xA;
	_ =	sdelay $0x1  }
0x72: {  	v14 =	vmul.f32 v14, v13;
	_ =	sdelay $0x1  }
0x73: {  	[tilespmem:v2+s26+$0x180 ss:$0x1] =	vst.idx.msk $0xffff, v14  }
0x74: {  	v15 =	vld.idx.msk [tilespmem:v2+s26+$0x200 ss:$0x1], $0xffff;
	_ =	sdelay $0x2  }
0x75: {  	v14 =	vbroadcast v18, $0xB;
	_ =	sdelay $0x1  }
0x76: {  	v15 =	vmul.f32 v15, v14;
	_ =	sdelay $0x1  }
0x77: {  	[tilespmem:v2+s26+$0x200 ss:$0x1] =	vst.idx.msk $0xffff, v15  }
0x78: {  	v16 =	vld.idx.msk [tilespmem:v2+s26+$0x280 ss:$0x1], $0xffff;
	_ =	sdelay $0x2  }
0x79: {  	v15 =	vbroadcast v18, $0xC;
	_ =	sdelay $0x1  }
0x7a: {  	v16 =	vmul.f32 v16, v15;
	_ =	sdelay $0x1  }
0x7b: {  	[tilespmem:v2+s26+$0x280 ss:$0x1] =	vst.idx.msk $0xffff, v16  }
0x7c: {  	v17 =	vld.idx.msk [tilespmem:v2+s26+$0x300 ss:$0x1], $0xffff;
	_ =	sdelay $0x2  }
0x7d: {  	v16 =	vbroadcast v18, $0xD;
	_ =	sdelay $0x1  }
0x7e: {  	v17 =	vmul.f32 v17, v16;
	_ =	sdelay $0x1  }
0x7f: {  	[tilespmem:v2+s26+$0x300 ss:$0x1] =	vst.idx.msk $0xffff, v17  }
0x80: {  	v19 =	vld.idx.msk [tilespmem:v2+s26+$0x380 ss:$0x1], $0xffff;
	_ =	sdelay $0x2  }
0x81: {  	v17 =	vbroadcast v18, $0xE;
	_ =	sdelay $0x1  }
0x82: {  	v19 =	vmul.f32 v19, v17;
	_ =	sdelay $0x1  }
0x83: {  	[tilespmem:v2+s26+$0x380 ss:$0x1] =	vst.idx.msk $0xffff, v19  }
0x84: {  	s28 =	simm.s32 $0xFFFFFE40;
	v18 =	vbroadcast v18, $0xF;
	v19 =	vld.idx.msk [tilespmem:v2+s26+$0x400 ss:$0x1], $0xffff  }
.LBB2_6:
0x85: {  	_ =	sdelay $0x3  }
0x86: {  	p0 =	sne.s32 s28, $0xFFFFFFC0;
	s29 =	smov.u32 s28;
	s28 =	sadd.s32 $0x40, s28;
	v19 =	vmul.f32 v19, v18  }
0x87: {  	_ = 	snop  }
0x88: {  	[tilespmem:v2+s26+$0x400 ss:$0x1] =	vst.idx.msk $0xffff, v19;
	s26 =	sshra.s32 s29, $0x2  }
0x89: {  	v19 =	vld.idx.msk [tilespmem:v2+s26+$0xFFFFFC80 ss:$0x1], $0xffff  }
0x8a: {  	v20 =	vld.idx.msk [tilespmem:v2+s26+$0xFFFFFD00 ss:$0x1], $0xffff;
	_ =	sdelay $0x4  }
0x8b: {  	v19 =	vmul.f32 v19, v3  }
0x8c: {  	v20 =	vmul.f32 v20, v4  }
0x8d: {  	[tilespmem:v2+s26+$0xFFFFFC80 ss:$0x1] =	vst.idx.msk $0xffff, v19  }
0x8e: {  	[tilespmem:v2+s26+$0xFFFFFD00 ss:$0x1] =	vst.idx.msk $0xffff, v20  }
0x8f: {  	v19 =	vld.idx.msk [tilespmem:v2+s26+$0xFFFFFD80 ss:$0x1], $0xffff;
	_ =	sdelay $0x5  }
0x90: {  	v19 =	vmul.f32 v19, v5;
	_ =	sdelay $0x1  }
0x91: {  	[tilespmem:v2+s26+$0xFFFFFD80 ss:$0x1] =	vst.idx.msk $0xffff, v19  }
0x92: {  	v19 =	vld.idx.msk [tilespmem:v2+s26+$0xFFFFFE00 ss:$0x1], $0xffff;
	_ =	sdelay $0x5  }
0x93: {  	v19 =	vmul.f32 v19, v6;
	_ =	sdelay $0x1  }
0x94: {  	[tilespmem:v2+s26+$0xFFFFFE00 ss:$0x1] =	vst.idx.msk $0xffff, v19  }
0x95: {  	v19 =	vld.idx.msk [tilespmem:v2+s26+$0xFFFFFE80 ss:$0x1], $0xffff;
	_ =	sdelay $0x5  }
0x96: {  	v19 =	vmul.f32 v19, v7;
	_ =	sdelay $0x1  }
0x97: {  	[tilespmem:v2+s26+$0xFFFFFE80 ss:$0x1] =	vst.idx.msk $0xffff, v19  }
0x98: {  	v19 =	vld.idx.msk [tilespmem:v2+s26+$0xFFFFFF00 ss:$0x1], $0xffff;
	_ =	sdelay $0x5  }
0x99: {  	v19 =	vmul.f32 v19, v8;
	_ =	sdelay $0x1  }
0x9a: {  	[tilespmem:v2+s26+$0xFFFFFF00 ss:$0x1] =	vst.idx.msk $0xffff, v19  }
0x9b: {  	v19 =	vld.idx.msk [tilespmem:v2+s26+$0xFFFFFF80 ss:$0x1], $0xffff;
	_ =	sdelay $0x5  }
0x9c: {  	v19 =	vmul.f32 v19, v9;
	_ =	sdelay $0x1  }
0x9d: {  	[tilespmem:v2+s26+$0xFFFFFF80 ss:$0x1] =	vst.idx.msk $0xffff, v19  }
0x9e: {  	v19 =	vld.idx.msk [tilespmem:v2+s26+$0x0 ss:$0x1], $0xffff;
	_ =	sdelay $0x5  }
0x9f: {  	v19 =	vmul.f32 v19, v10;
	_ =	sdelay $0x1  }
0xa0: {  	[tilespmem:v2+s26+$0x0 ss:$0x1] =	vst.idx.msk $0xffff, v19  }
0xa1: {  	v19 =	vld.idx.msk [tilespmem:v2+s26+$0x80 ss:$0x1], $0xffff  }
0xa2: {  	v20 =	vld.idx.msk [tilespmem:v2+s26+$0x100 ss:$0x1], $0xffff;
	_ =	sdelay $0x4  }
0xa3: {  	v19 =	vmul.f32 v19, v11  }
0xa4: {  	v20 =	vmul.f32 v20, v12  }
0xa5: {  	[tilespmem:v2+s26+$0x80 ss:$0x1] =	vst.idx.msk $0xffff, v19  }
0xa6: {  	[tilespmem:v2+s26+$0x100 ss:$0x1] =	vst.idx.msk $0xffff, v20  }
0xa7: {  	v19 =	vld.idx.msk [tilespmem:v2+s26+$0x180 ss:$0x1], $0xffff;
	_ =	sdelay $0x5  }
0xa8: {  	v19 =	vmul.f32 v19, v13;
	_ =	sdelay $0x1  }
0xa9: {  	[tilespmem:v2+s26+$0x180 ss:$0x1] =	vst.idx.msk $0xffff, v19  }
0xaa: {  	v19 =	vld.idx.msk [tilespmem:v2+s26+$0x200 ss:$0x1], $0xffff;
	_ =	sdelay $0x5  }
0xab: {  	v19 =	vmul.f32 v19, v14;
	_ =	sdelay $0x1  }
0xac: {  	[tilespmem:v2+s26+$0x200 ss:$0x1] =	vst.idx.msk $0xffff, v19  }
0xad: {  	v19 =	vld.idx.msk [tilespmem:v2+s26+$0x280 ss:$0x1], $0xffff;
	_ =	sdelay $0x5  }
0xae: {  	v19 =	vmul.f32 v19, v15;
	_ =	sdelay $0x1  }
0xaf: {  	[tilespmem:v2+s26+$0x280 ss:$0x1] =	vst.idx.msk $0xffff, v19  }
0xb0: {  	v19 =	vld.idx.msk [tilespmem:v2+s26+$0x300 ss:$0x1], $0xffff;
	_ =	sdelay $0x5  }
0xb1: {  	v19 =	vmul.f32 v19, v16;
	_ =	sdelay $0x1  }
0xb2: {  	[tilespmem:v2+s26+$0x300 ss:$0x1] =	vst.idx.msk $0xffff, v19  }
0xb3: {  	v19 =	vld.idx.msk [tilespmem:v2+s26+$0x380 ss:$0x1], $0xffff;
	_ =	sdelay $0x4  }
.Ltmp1:
0xb4: {  	(pc) =	sbr.rel @p0 .LBB2_6-.Ltmp1, $3  }
0xb5: {  	v19 =	vmul.f32 v19, v17;
	_ =	sdelay $0x1  }
0xb6: {  	[tilespmem:v2+s26+$0x380 ss:$0x1] =	vst.idx.msk $0xffff, v19  }
0xb7: {  	v19 =	vld.idx.msk [tilespmem:v2+s26+$0x400 ss:$0x1], $0xffff  }
0xb8: {  	s25 =	sadd.s32 $0x1, s25  }
0xb9: {  	p0 =	sne.s32 s25, $0x8  }
.Ltmp2:
0xba: {  	_ = 	snop;
	(pc) =	sbr.rel @p0 .LBB2_5-.Ltmp2, $3  }
0xbb: {  	_ = 	snop  }
0xbc: {  	v3 =	vmul.f32 v19, v18;
	_ =	sdelay $0x1  }
0xbd: {  	s24 =	sadd.s32 $0x800, s24;
	[tilespmem:v2+s26+$0x400 ss:$0x1] =	vst.idx.msk $0xffff, v3  }
0xbe: {  	s22 =	sadd.s32 $0x1, s22  }
0xbf: {  	p0 =	sne.s32 s22, $0x50  }
.Ltmp3:
0xc0: {  	s23 =	sadd.s32 $0x2800, s23;
	(pc) =	sbr.rel @p0 .LBB2_4-.Ltmp3, $4  }
0xc1: {  	[spmem:s2] =	stream.indirect.scatter.add.f32 [tilespmem:s15], [sflag:$0x2], $0x80, s23, s19, $0xb8;
	[tilespmem:$0x1F800] =	vst v63  }
0xc2: {  	_ =	swait.ge [sflag:s16], $0x4000  }
0xc3: {  	[sflag:s16] =	ssyncset.done $0x0  }
0xc4: {  	[sflag:s16] =	ssyncadd.s32 $0xFFFFC000  }
0xc5: {  	s21 =	sadd.s32 $0x1, s21  }
0xc6: {  	s22 =	sshll.u32 s0, $0x6;
	[bflag:$0x0] =	sbarrier.arrive $0xFFFF;
	p0 =	sne.s32 s21, s14  }
.Ltmp4:
0xc7: {  	s23 =	sshrl.u32 s5, $0x3;
	s22 =	sor.u32 $0x1C02, s22;
	(pc) =	sbr.rel @p0 .LBB2_1-.Ltmp4, $4  }
0xc8: {  	[hbm:s13], [sflag:s22] =	dma.local [spmem:s23], $0x2800  }
0xc9: {  	_ =	swait.ge [sflag:s16], $0x2800  }
0xca: {  	[sflag:s16] =	ssyncset.done $0x0  }
0xcb: {  	[sflag:s16] =	ssyncadd.s32 $0xFFFFD800  }
0xcc: {  	_ =	sfence.sel $0x180000  }
0xcd: {  	[bflag:$0x0] =	sbarrier.arrive $0xFFFF  }
0xce: {  	p0 =	sne.s32 s0, $0x0;
	_ =	strace $0x9000004A  }
0xcf: {  	s0 =	sadd.s32 @!p0 $0x100000, s1;
	[bflag:$0x2] =	sbarrier.arrive $0xFFFF  }
0xd0: {  	[sflag:s0] =	ssyncadd.tile.s32 @!p0 $0x1;
	_ =	shalt  }
.Lfunc_end2:
_tile_overlayer_lowered:
.L_overlay_start_2:
0xd1: {  	(tag) =	ssettag $0x2  }
0xd2: {  	s0 =	rddreg [dreg:$0x0];
	s2 =	stileid.u32  }
0xd3: {  	s1 =	rddreg [dreg:$0x1];
	p0 =	sne.s32 s2, $0x0  }
0xd4: {  	s3 =	rddreg [dreg:$0x2];
	[bflag:$0x3] =	sbarrier.arrive $0xFFFF;
	s2 =	simm.s32 @!p0 $0x1C02  }
0xd5: {  	[timem:s3], [sflag:s2] =	dma.local @!p0 [hbm:s0], s1  }
0xd6: {  	s0 =	simm.s32 @!p0 $0x2  }
0xd7: {  	_ =	swait.ge @!p0 [sflag:s0], s1  }
0xd8: {  	s1 =	ssub.s32 @!p0 $0x0, s1;
	[sflag:s0] =	ssyncset.done @!p0 $0x0  }
0xd9: {  	[sflag:s0] =	ssyncadd.s32 @!p0 s1  }
0xda: {  	[bflag:$0x3] =	sbarrier.arrive $0xFFFF  }
0xdb: {  	_ =	shalt  }

</sc_bundles>
